<compile_context>
chip_gen: v7x
topology: tpu7x:2x2x1
jax: 0.10.2.dev20260603
libtpu: 0.0.44.dev20260713+nightly
codegen_flags: <defaults>
</compile_context>

<pallas_src>
import functools

import jax
import jax.numpy as jnp
from jax import lax
from jax.experimental import pallas as pl
from jax.experimental.pallas import tpu as pltpu
from jax.experimental.pallas import tpu_sc as plsc

_VOCAB = 1000000
_EMBED = 64
_BATCH = 4096
_SEQ = 200
_N = _BATCH * _SEQ
_NC = 2
_NS = 16
_NW = _NC * _NS
_PER_W = _N // _NW
_C = 400
_STEPS = _PER_W // _C
_NB = 4
_L = 2
_GROUPS = _STEPS // _NB

_mesh = plsc.VectorSubcoreMesh(core_axis_name="c", subcore_axis_name="s")


@functools.partial(
    pl.kernel,
    mesh=_mesh,
    compiler_params=pltpu.CompilerParams(use_tc_tiling_on_sc=False),
    out_type=jax.ShapeDtypeStruct((_N, 2 * _EMBED), jnp.float32),
    scratch_types=[
        pltpu.VMEM((_PER_W,), jnp.int32),
        pltpu.VMEM((_NB, _C, _EMBED), jnp.float32),
        pltpu.SemaphoreType.DMA((_NB,)),
        pltpu.SemaphoreType.DMA((_NB,)),
    ],
)
def _embed_lookup(x_hbm, table_hbm, out_hbm, idx_v, rows_v, gat_sem, out_sem):
    wid = lax.axis_index("s") * _NC + lax.axis_index("c")
    wbase = pl.multiple_of(wid * _PER_W, 8)
    pltpu.sync_copy(x_hbm.at[pl.ds(wbase, _PER_W)], idx_v)

    def start_gather(b, r):
        pltpu.make_async_copy(
            table_hbm.at[idx_v.at[pl.ds(r * _C, _C)]],
            rows_v.at[b],
            gat_sem.at[b],
        ).start()

    def wait_gather(b):
        pltpu.make_async_copy(
            table_hbm.at[idx_v.at[pl.ds(0, _C)]], rows_v.at[b], gat_sem.at[b]
        ).wait()

    def start_out(b, r):
        base = pl.multiple_of(wbase + r * _C, 8)
        pltpu.make_async_copy(
            rows_v.at[b],
            out_hbm.at[pl.ds(base, _C), pl.ds(0, _EMBED)],
            out_sem.at[b],
        ).start()

    def wait_out(b):
        pltpu.make_async_copy(
            rows_v.at[b],
            out_hbm.at[pl.ds(0, _C), pl.ds(0, _EMBED)],
            out_sem.at[b],
        ).wait()

    def body(g, carry):
        for b in range(_NB):
            r = g * _NB + b
            @pl.when(g >= 1)
            def _():
                wait_out(b)

            start_gather(b, r)

            b2 = (b - _L) % _NB
            r2 = r - _L

            @pl.when(r2 >= 0)
            def _():
                wait_gather(b2)
                start_out(b2, r2)

        return carry

    lax.fori_loop(0, _GROUPS, body, 0)

    for k in range(_L):
        r2 = _STEPS - _L + k
        b2 = r2 % _NB
        wait_gather(b2)
        start_out(b2, r2)
    for b in range(_NB):
        wait_out(b)


def kernel(x, table):
    out = _embed_lookup(x.reshape(_N), table)
    return out[:, :_EMBED].reshape(_BATCH, _SEQ, _EMBED)

# --- scband reference (transcript-rebuilt; emitter-appended) ---
"""Pipeline reference for scband-token-only-embedding-27127013441870 (READ-ONLY COPY).

The authoritative reference and input builder live on the scoring server;
editing this copy changes nothing except your own understanding.
"""

import jax, jax.numpy as jnp
import numpy as np

VOCAB = 1000000
EMBED_DIM = 64
BATCH = 4096
SEQ = 200

def setup_inputs(seed: int = 0) -> dict:
    key = jax.random.key(seed)
    k_idx, k_tab = jax.random.split(key)
    x = jax.random.randint(k_idx, (BATCH, SEQ), 0, VOCAB, dtype=jnp.int32)
    # nnx.Embed default init: variance-scaling-like normal embedding init
    table = jax.random.normal(k_tab, (VOCAB, EMBED_DIM), dtype=jnp.float32) * (1.0 / np.sqrt(EMBED_DIM))
    return {"x": x, "table": table}

def reference(x, table):
    # TokenOnlyEmbedding.__call__: pure token embedding lookup, no positional embeddings
    return jnp.take(table, x, axis=0)

if __name__ == "__main__":
    import jax
    _d = setup_inputs()
    print(jax.jit(kernel)(*tuple(_d.values())))

</pallas_src>

<mosaic_0001>
#map = affine_map<(d0, d1) -> (0)>
#map1 = affine_map<(d0, d1) -> (0, 0)>
module attributes {stable_mosaic.version = 14 : i64} {
  func.func @_embed_lookup(%arg0: i32, %arg1: i32, %arg2: memref<819200xi32, #tpu.memory_space<hbm>>, %arg3: memref<1000000x64xf32, #tpu.memory_space<hbm>>, %arg4: memref<819200x128xf32, #tpu.memory_space<hbm>>, %arg5: memref<25600xi32, #tpu.memory_space<vmem>>, %arg6: memref<4x400x64xf32, #tpu.memory_space<vmem>>, %arg7: memref<4x!tpu.dma_semaphore, #tpu.memory_space<semaphore_mem>>, %arg8: memref<4x!tpu.dma_semaphore, #tpu.memory_space<semaphore_mem>>) attributes {dimension_semantics = [#tpu.dimension_semantics<core_parallel>, #tpu.dimension_semantics<subcore_parallel>], iteration_bounds = array<i64: 2, 16>, scalar_prefetch = 0 : i64, scratch_operands = 4 : i64, tpu.core_type = #tpu.core_type<sc_vector_subcore>, window_params = [{transform_indices = #map}, {transform_indices = #map1}, {transform_indices = #map1}]} {
    %mul3A = arith.constant 2 : i32
    %mul3A_0 = arith.muli %arg1, %mul3A : i32
    %add3A = arith.addi %mul3A_0, %arg0 : i32
    %mul3A_1 = arith.constant 25600 : i32
    %mul3A_2 = arith.muli %add3A, %mul3A_1 : i32
    %multiple_of3A = tpu.assume_multiple %mul3A_2, 8 : i32
    "tpu.region"() ({
      %run_scoped3A = tpu.sem_alloc : memref<!tpu.dma_semaphore, #tpu.memory_space<semaphore_mem>>
      %dma_start3A_142 = tpu.memref_slice %arg2[%multiple_of3A] : memref<819200xi32, #tpu.memory_space<hbm>> -> memref<25600xi32, #tpu.memory_space<hbm>>
      %dma_start3A_143 = tpu.memref_slice %arg2[%multiple_of3A] : memref<819200xi32, #tpu.memory_space<hbm>> -> memref<25600xi32, #tpu.memory_space<hbm>>
      tpu.enqueue_dma source(%dma_start3A_143 : memref<25600xi32, #tpu.memory_space<hbm>>) target(%arg5 : memref<25600xi32, #tpu.memory_space<vmem>>) target_semaphore(%run_scoped3A : memref<!tpu.dma_semaphore, #tpu.memory_space<semaphore_mem>>)
      %dma_wait3A_144 = tpu.memref_slice %arg2[%multiple_of3A] : memref<819200xi32, #tpu.memory_space<hbm>> -> memref<25600xi32, #tpu.memory_space<hbm>>
      %dma_wait3A_145 = tpu.memref_slice %arg2[%multiple_of3A] : memref<819200xi32, #tpu.memory_space<hbm>> -> memref<25600xi32, #tpu.memory_space<hbm>>
      tpu.wait_dma2 semaphore(%run_scoped3A : memref<!tpu.dma_semaphore, #tpu.memory_space<semaphore_mem>>) src(%dma_wait3A_145 : memref<25600xi32, #tpu.memory_space<hbm>>) dst(%arg5 : memref<25600xi32, #tpu.memory_space<vmem>>)
      tpu.yield
    }) : () -> ()
    %scan3A = arith.constant 0 : i32
    %scan3A_3 = arith.constant 0 : i32
    %scan3A_4 = arith.constant 16 : i32
    %scan3A_5 = arith.addi %scan3A_3, %scan3A_4 : i32
    %scan3A_6 = arith.constant 1 : i32
    scf.for %scan3A_142 = %scan3A_3 to %scan3A_5 step %scan3A_6  : i32 {
      %mul3A_143 = arith.constant 4 : i32
      %mul3A_144 = arith.muli %scan3A_142, %mul3A_143 : i32
      %add3A_145 = arith.constant 0 : i32
      %add3A_146 = arith.addi %mul3A_144, %add3A_145 : i32
      %ge3A = arith.constant 1 : i32
      %ge3A_147 = arith.cmpi sge, %scan3A_142, %ge3A : i32
      %convert_element_type3A = arith.extui %ge3A_147 : i1 to i32
      %cond3A = arith.constant 0 : i32
      %cond3A_148 = arith.cmpi ne, %convert_element_type3A, %cond3A : i32
      scf.if %cond3A_148 {
        %dma_wait3A_259 = arith.constant 0 : i32
        %dma_wait3A_260 = arith.constant 0 : i32
        %dma_wait3A_261 = arith.constant 0 : i32
        %dma_wait3A_262 = arith.constant 0 : i32
        %dma_wait3A_263 = tpu.memref_slice %arg6[%dma_wait3A_259, %dma_wait3A_261, %dma_wait3A_262] : memref<4x400x64xf32, #tpu.memory_space<vmem>> -> memref<1x400x64xf32, #tpu.memory_space<vmem>>
        %dma_wait3A_264 = tpu.memref_squeeze %dma_wait3A_263 : memref<1x400x64xf32, #tpu.memory_space<vmem>> -> memref<400x64xf32, #tpu.memory_space<vmem>>
        %dma_wait3A_265 = arith.constant 0 : i32
        %dma_wait3A_266 = arith.constant 0 : i32
        %dma_wait3A_267 = tpu.memref_slice %arg4[%dma_wait3A_265, %dma_wait3A_266] : memref<819200x128xf32, #tpu.memory_space<hbm>> -> memref<400x64xf32, #tpu.memory_space<hbm>>
        %dma_wait3A_268 = tpu.memref_slice %arg8[%dma_wait3A_260] : memref<4x!tpu.dma_semaphore, #tpu.memory_space<semaphore_mem>> -> memref<1x!tpu.dma_semaphore, #tpu.memory_space<semaphore_mem>>
        %dma_wait3A_269 = tpu.memref_squeeze %dma_wait3A_268 : memref<1x!tpu.dma_semaphore, #tpu.memory_space<semaphore_mem>> -> memref<!tpu.dma_semaphore, #tpu.memory_space<semaphore_mem>>
        %dma_wait3A_270 = arith.constant 0 : i32
        %dma_wait3A_271 = arith.constant 0 : i32
        %dma_wait3A_272 = tpu.memref_slice %arg4[%dma_wait3A_270, %dma_wait3A_271] : memref<819200x128xf32, #tpu.memory_space<hbm>> -> memref<400x64xf32, #tpu.memory_space<hbm>>
        %dma_wait3A_273 = arith.constant 0 : i32
        %dma_wait3A_274 = arith.constant 0 : i32
        %dma_wait3A_275 = tpu.memref_slice %arg6[%dma_wait3A_259, %dma_wait3A_273, %dma_wait3A_274] : memref<4x400x64xf32, #tpu.memory_space<vmem>> -> memref<1x400x64xf32, #tpu.memory_space<vmem>>
        %dma_wait3A_276 = tpu.memref_squeeze %dma_wait3A_275 : memref<1x400x64xf32, #tpu.memory_space<vmem>> -> memref<400x64xf32, #tpu.memory_space<vmem>>
        tpu.wait_dma2 semaphore(%dma_wait3A_269 : memref<!tpu.dma_semaphore, #tpu.memory_space<semaphore_mem>>) src(%dma_wait3A_276 : memref<400x64xf32, #tpu.memory_space<vmem>>) dst(%dma_wait3A_272 : memref<400x64xf32, #tpu.memory_space<hbm>>)
      } else {
      }
      %mul3A_149 = arith.constant 400 : i32
      %mul3A_150 = arith.muli %add3A_146, %mul3A_149 : i32
      %dma_start3A_151 = arith.constant 0 : i32
      %dma_start3A_152 = arith.constant 0 : i32
      %dma_start3A_153 = arith.constant 0 : i32
      %dma_start3A_154 = arith.constant 0 : i32
      %dma_start3A_155 = tpu.memref_slice %arg6[%dma_start3A_151, %dma_start3A_153, %dma_start3A_154] : memref<4x400x64xf32, #tpu.memory_space<vmem>> -> memref<1x400x64xf32, #tpu.memory_space<vmem>>
      %dma_start3A_156 = tpu.memref_squeeze %dma_start3A_155 : memref<1x400x64xf32, #tpu.memory_space<vmem>> -> memref<400x64xf32, #tpu.memory_space<vmem>>
      %dma_start3A_157 = tpu.memref_slice %arg5[%mul3A_150] : memref<25600xi32, #tpu.memory_space<vmem>> -> memref<400xi32, #tpu.memory_space<vmem>>
      %dma_start3A_158 = arith.constant 0 : i32
      %dma_start3A_159 = arith.constant 0 : i32
      %dma_start3A_160 = tpu.memref_slice %arg3[%dma_start3A_158, %dma_start3A_159] : memref<1000000x64xf32, #tpu.memory_space<hbm>> -> memref<1000000x64xf32, #tpu.memory_space<hbm>>
      %dma_start3A_161 = tpu.memref_slice %arg7[%dma_start3A_152] : memref<4x!tpu.dma_semaphore, #tpu.memory_space<semaphore_mem>> -> memref<1x!tpu.dma_semaphore, #tpu.memory_space<semaphore_mem>>
      %dma_start3A_162 = tpu.memref_squeeze %dma_start3A_161 : memref<1x!tpu.dma_semaphore, #tpu.memory_space<semaphore_mem>> -> memref<!tpu.dma_semaphore, #tpu.memory_space<semaphore_mem>>
      tpu.enqueue_indirect_dma source(%dma_start3A_160 : memref<1000000x64xf32, #tpu.memory_space<hbm>>) target(%dma_start3A_156 : memref<400x64xf32, #tpu.memory_space<vmem>>) offsets(%dma_start3A_157 : memref<400xi32, #tpu.memory_space<vmem>>) semaphore(%dma_start3A_162 : memref<!tpu.dma_semaphore, #tpu.memory_space<semaphore_mem>>)
      %sub3A = arith.constant 2 : i32
      %sub3A_163 = arith.subi %add3A_146, %sub3A : i32
      %ge3A_164 = arith.constant 0 : i32
      %ge3A_165 = arith.cmpi sge, %sub3A_163, %ge3A_164 : i32
      %convert_element_type3A_166 = arith.extui %ge3A_165 : i1 to i32
      %cond3A_167 = arith.constant 0 : i32
      %cond3A_168 = arith.cmpi ne, %convert_element_type3A_166, %cond3A_167 : i32
      scf.if %cond3A_168 {
        %dma_wait3A_259 = arith.constant 2 : i32
        %dma_wait3A_260 = arith.constant 2 : i32
        %dma_wait3A_261 = arith.constant 0 : i32
        %dma_wait3A_262 = arith.constant 0 : i32
        %dma_wait3A_263 = tpu.memref_slice %arg6[%dma_wait3A_259, %dma_wait3A_261, %dma_wait3A_262] : memref<4x400x64xf32, #tpu.memory_space<vmem>> -> memref<1x400x64xf32, #tpu.memory_space<vmem>>
        %dma_wait3A_264 = tpu.memref_squeeze %dma_wait3A_263 : memref<1x400x64xf32, #tpu.memory_space<vmem>> -> memref<400x64xf32, #tpu.memory_space<vmem>>
        %dma_wait3A_265 = arith.constant 0 : i32
        %dma_wait3A_266 = tpu.memref_slice %arg5[%dma_wait3A_265] : memref<25600xi32, #tpu.memory_space<vmem>> -> memref<400xi32, #tpu.memory_space<vmem>>
        %dma_wait3A_267 = arith.constant 0 : i32
        %dma_wait3A_268 = arith.constant 0 : i32
        %dma_wait3A_269 = tpu.memref_slice %arg3[%dma_wait3A_267, %dma_wait3A_268] : memref<1000000x64xf32, #tpu.memory_space<hbm>> -> memref<1000000x64xf32, #tpu.memory_space<hbm>>
        %dma_wait3A_270 = tpu.memref_slice %arg7[%dma_wait3A_260] : memref<4x!tpu.dma_semaphore, #tpu.memory_space<semaphore_mem>> -> memref<1x!tpu.dma_semaphore, #tpu.memory_space<semaphore_mem>>
        %dma_wait3A_271 = tpu.memref_squeeze %dma_wait3A_270 : memref<1x!tpu.dma_semaphore, #tpu.memory_space<semaphore_mem>> -> memref<!tpu.dma_semaphore, #tpu.memory_space<semaphore_mem>>
        tpu.wait_indirect_dma semaphore(%dma_wait3A_271 : memref<!tpu.dma_semaphore, #tpu.memory_space<semaphore_mem>>) src(%dma_wait3A_269 : memref<1000000x64xf32, #tpu.memory_space<hbm>>) dst(%dma_wait3A_264 : memref<400x64xf32, #tpu.memory_space<vmem>>)
        %mul3A_272 = arith.constant 400 : i32
        %mul3A_273 = arith.muli %sub3A_163, %mul3A_272 : i32
        %add3A_274 = arith.addi %multiple_of3A, %mul3A_273 : i32
        %multiple_of3A_275 = tpu.assume_multiple %add3A_274, 8 : i32
        %dma_start3A_276 = arith.constant 2 : i32
        %dma_start3A_277 = arith.constant 2 : i32
        %dma_start3A_278 = arith.constant 0 : i32
        %dma_start3A_279 = arith.constant 0 : i32
        %dma_start3A_280 = tpu.memref_slice %arg6[%dma_start3A_276, %dma_start3A_278, %dma_start3A_279] : memref<4x400x64xf32, #tpu.memory_space<vmem>> -> memref<1x400x64xf32, #tpu.memory_space<vmem>>
        %dma_start3A_281 = tpu.memref_squeeze %dma_start3A_280 : memref<1x400x64xf32, #tpu.memory_space<vmem>> -> memref<400x64xf32, #tpu.memory_space<vmem>>
        %dma_start3A_282 = arith.constant 0 : i32
        %dma_start3A_283 = tpu.memref_slice %arg4[%multiple_of3A_275, %dma_start3A_282] : memref<819200x128xf32, #tpu.memory_space<hbm>> -> memref<400x64xf32, #tpu.memory_space<hbm>>
        %dma_start3A_284 = tpu.memref_slice %arg8[%dma_start3A_277] : memref<4x!tpu.dma_semaphore, #tpu.memory_space<semaphore_mem>> -> memref<1x!tpu.dma_semaphore, #tpu.memory_space<semaphore_mem>>
        %dma_start3A_285 = tpu.memref_squeeze %dma_start3A_284 : memref<1x!tpu.dma_semaphore, #tpu.memory_space<semaphore_mem>> -> memref<!tpu.dma_semaphore, #tpu.memory_space<semaphore_mem>>
        %dma_start3A_286 = arith.constant 0 : i32
        %dma_start3A_287 = tpu.memref_slice %arg4[%multiple_of3A_275, %dma_start3A_286] : memref<819200x128xf32, #tpu.memory_space<hbm>> -> memref<400x64xf32, #tpu.memory_space<hbm>>
        %dma_start3A_288 = arith.constant 0 : i32
        %dma_start3A_289 = arith.constant 0 : i32
        %dma_start3A_290 = tpu.memref_slice %arg6[%dma_start3A_276, %dma_start3A_288, %dma_start3A_289] : memref<4x400x64xf32, #tpu.memory_space<vmem>> -> memref<1x400x64xf32, #tpu.memory_space<vmem>>
        %dma_start3A_291 = tpu.memref_squeeze %dma_start3A_290 : memref<1x400x64xf32, #tpu.memory_space<vmem>> -> memref<400x64xf32, #tpu.memory_space<vmem>>
        tpu.enqueue_dma source(%dma_start3A_291 : memref<400x64xf32, #tpu.memory_space<vmem>>) target(%dma_start3A_287 : memref<400x64xf32, #tpu.memory_space<hbm>>) target_semaphore(%dma_start3A_285 : memref<!tpu.dma_semaphore, #tpu.memory_space<semaphore_mem>>)
      } else {
      }
      %mul3A_169 = arith.constant 4 : i32
      %mul3A_170 = arith.muli %scan3A_142, %mul3A_169 : i32
      %add3A_171 = arith.constant 1 : i32
      %add3A_172 = arith.addi %mul3A_170, %add3A_171 : i32
      %ge3A_173 = arith.constant 1 : i32
      %ge3A_174 = arith.cmpi sge, %scan3A_142, %ge3A_173 : i32
      %convert_element_type3A_175 = arith.extui %ge3A_174 : i1 to i32
      %cond3A_176 = arith.constant 0 : i32
      %cond3A_177 = arith.cmpi ne, %convert_element_type3A_175, %cond3A_176 : i32
      scf.if %cond3A_177 {
        %dma_wait3A_259 = arith.constant 1 : i32
        %dma_wait3A_260 = arith.constant 1 : i32
        %dma_wait3A_261 = arith.constant 0 : i32
        %dma_wait3A_262 = arith.constant 0 : i32
        %dma_wait3A_263 = tpu.memref_slice %arg6[%dma_wait3A_259, %dma_wait3A_261, %dma_wait3A_262] : memref<4x400x64xf32, #tpu.memory_space<vmem>> -> memref<1x400x64xf32, #tpu.memory_space<vmem>>
        %dma_wait3A_264 = tpu.memref_squeeze %dma_wait3A_263 : memref<1x400x64xf32, #tpu.memory_space<vmem>> -> memref<400x64xf32, #tpu.memory_space<vmem>>
        %dma_wait3A_265 = arith.constant 0 : i32
        %dma_wait3A_266 = arith.constant 0 : i32
        %dma_wait3A_267 = tpu.memref_slice %arg4[%dma_wait3A_265, %dma_wait3A_266] : memref<819200x128xf32, #tpu.memory_space<hbm>> -> memref<400x64xf32, #tpu.memory_space<hbm>>
        %dma_wait3A_268 = tpu.memref_slice %arg8[%dma_wait3A_260] : memref<4x!tpu.dma_semaphore, #tpu.memory_space<semaphore_mem>> -> memref<1x!tpu.dma_semaphore, #tpu.memory_space<semaphore_mem>>
        %dma_wait3A_269 = tpu.memref_squeeze %dma_wait3A_268 : memref<1x!tpu.dma_semaphore, #tpu.memory_space<semaphore_mem>> -> memref<!tpu.dma_semaphore, #tpu.memory_space<semaphore_mem>>
        %dma_wait3A_270 = arith.constant 0 : i32
        %dma_wait3A_271 = arith.constant 0 : i32
        %dma_wait3A_272 = tpu.memref_slice %arg4[%dma_wait3A_270, %dma_wait3A_271] : memref<819200x128xf32, #tpu.memory_space<hbm>> -> memref<400x64xf32, #tpu.memory_space<hbm>>
        %dma_wait3A_273 = arith.constant 0 : i32
        %dma_wait3A_274 = arith.constant 0 : i32
        %dma_wait3A_275 = tpu.memref_slice %arg6[%dma_wait3A_259, %dma_wait3A_273, %dma_wait3A_274] : memref<4x400x64xf32, #tpu.memory_space<vmem>> -> memref<1x400x64xf32, #tpu.memory_space<vmem>>
        %dma_wait3A_276 = tpu.memref_squeeze %dma_wait3A_275 : memref<1x400x64xf32, #tpu.memory_space<vmem>> -> memref<400x64xf32, #tpu.memory_space<vmem>>
        tpu.wait_dma2 semaphore(%dma_wait3A_269 : memref<!tpu.dma_semaphore, #tpu.memory_space<semaphore_mem>>) src(%dma_wait3A_276 : memref<400x64xf32, #tpu.memory_space<vmem>>) dst(%dma_wait3A_272 : memref<400x64xf32, #tpu.memory_space<hbm>>)
      } else {
      }
      %mul3A_178 = arith.constant 400 : i32
      %mul3A_179 = arith.muli %add3A_172, %mul3A_178 : i32
      %dma_start3A_180 = arith.constant 1 : i32
      %dma_start3A_181 = arith.constant 1 : i32
      %dma_start3A_182 = arith.constant 0 : i32
      %dma_start3A_183 = arith.constant 0 : i32
      %dma_start3A_184 = tpu.memref_slice %arg6[%dma_start3A_180, %dma_start3A_182, %dma_start3A_183] : memref<4x400x64xf32, #tpu.memory_space<vmem>> -> memref<1x400x64xf32, #tpu.memory_space<vmem>>
      %dma_start3A_185 = tpu.memref_squeeze %dma_start3A_184 : memref<1x400x64xf32, #tpu.memory_space<vmem>> -> memref<400x64xf32, #tpu.memory_space<vmem>>
      %dma_start3A_186 = tpu.memref_slice %arg5[%mul3A_179] : memref<25600xi32, #tpu.memory_space<vmem>> -> memref<400xi32, #tpu.memory_space<vmem>>
      %dma_start3A_187 = arith.constant 0 : i32
      %dma_start3A_188 = arith.constant 0 : i32
      %dma_start3A_189 = tpu.memref_slice %arg3[%dma_start3A_187, %dma_start3A_188] : memref<1000000x64xf32, #tpu.memory_space<hbm>> -> memref<1000000x64xf32, #tpu.memory_space<hbm>>
      %dma_start3A_190 = tpu.memref_slice %arg7[%dma_start3A_181] : memref<4x!tpu.dma_semaphore, #tpu.memory_space<semaphore_mem>> -> memref<1x!tpu.dma_semaphore, #tpu.memory_space<semaphore_mem>>
      %dma_start3A_191 = tpu.memref_squeeze %dma_start3A_190 : memref<1x!tpu.dma_semaphore, #tpu.memory_space<semaphore_mem>> -> memref<!tpu.dma_semaphore, #tpu.memory_space<semaphore_mem>>
      tpu.enqueue_indirect_dma source(%dma_start3A_189 : memref<1000000x64xf32, #tpu.memory_space<hbm>>) target(%dma_start3A_185 : memref<400x64xf32, #tpu.memory_space<vmem>>) offsets(%dma_start3A_186 : memref<400xi32, #tpu.memory_space<vmem>>) semaphore(%dma_start3A_191 : memref<!tpu.dma_semaphore, #tpu.memory_space<semaphore_mem>>)
      %sub3A_192 = arith.constant 2 : i32
      %sub3A_193 = arith.subi %add3A_172, %sub3A_192 : i32
      %ge3A_194 = arith.constant 0 : i32
      %ge3A_195 = arith.cmpi sge, %sub3A_193, %ge3A_194 : i32
      %convert_element_type3A_196 = arith.extui %ge3A_195 : i1 to i32
      %cond3A_197 = arith.constant 0 : i32
      %cond3A_198 = arith.cmpi ne, %convert_element_type3A_196, %cond3A_197 : i32
      scf.if %cond3A_198 {
        %dma_wait3A_259 = arith.constant 3 : i32
        %dma_wait3A_260 = arith.constant 3 : i32
        %dma_wait3A_261 = arith.constant 0 : i32
        %dma_wait3A_262 = arith.constant 0 : i32
        %dma_wait3A_263 = tpu.memref_slice %arg6[%dma_wait3A_259, %dma_wait3A_261, %dma_wait3A_262] : memref<4x400x64xf32, #tpu.memory_space<vmem>> -> memref<1x400x64xf32, #tpu.memory_space<vmem>>
        %dma_wait3A_264 = tpu.memref_squeeze %dma_wait3A_263 : memref<1x400x64xf32, #tpu.memory_space<vmem>> -> memref<400x64xf32, #tpu.memory_space<vmem>>
        %dma_wait3A_265 = arith.constant 0 : i32
        %dma_wait3A_266 = tpu.memref_slice %arg5[%dma_wait3A_265] : memref<25600xi32, #tpu.memory_space<vmem>> -> memref<400xi32, #tpu.memory_space<vmem>>
        %dma_wait3A_267 = arith.constant 0 : i32
        %dma_wait3A_268 = arith.constant 0 : i32
        %dma_wait3A_269 = tpu.memref_slice %arg3[%dma_wait3A_267, %dma_wait3A_268] : memref<1000000x64xf32, #tpu.memory_space<hbm>> -> memref<1000000x64xf32, #tpu.memory_space<hbm>>
        %dma_wait3A_270 = tpu.memref_slice %arg7[%dma_wait3A_260] : memref<4x!tpu.dma_semaphore, #tpu.memory_space<semaphore_mem>> -> memref<1x!tpu.dma_semaphore, #tpu.memory_space<semaphore_mem>>
        %dma_wait3A_271 = tpu.memref_squeeze %dma_wait3A_270 : memref<1x!tpu.dma_semaphore, #tpu.memory_space<semaphore_mem>> -> memref<!tpu.dma_semaphore, #tpu.memory_space<semaphore_mem>>
        tpu.wait_indirect_dma semaphore(%dma_wait3A_271 : memref<!tpu.dma_semaphore, #tpu.memory_space<semaphore_mem>>) src(%dma_wait3A_269 : memref<1000000x64xf32, #tpu.memory_space<hbm>>) dst(%dma_wait3A_264 : memref<400x64xf32, #tpu.memory_space<vmem>>)
        %mul3A_272 = arith.constant 400 : i32
        %mul3A_273 = arith.muli %sub3A_193, %mul3A_272 : i32
        %add3A_274 = arith.addi %multiple_of3A, %mul3A_273 : i32
        %multiple_of3A_275 = tpu.assume_multiple %add3A_274, 8 : i32
        %dma_start3A_276 = arith.constant 3 : i32
        %dma_start3A_277 = arith.constant 3 : i32
        %dma_start3A_278 = arith.constant 0 : i32
        %dma_start3A_279 = arith.constant 0 : i32
        %dma_start3A_280 = tpu.memref_slice %arg6[%dma_start3A_276, %dma_start3A_278, %dma_start3A_279] : memref<4x400x64xf32, #tpu.memory_space<vmem>> -> memref<1x400x64xf32, #tpu.memory_space<vmem>>
        %dma_start3A_281 = tpu.memref_squeeze %dma_start3A_280 : memref<1x400x64xf32, #tpu.memory_space<vmem>> -> memref<400x64xf32, #tpu.memory_space<vmem>>
        %dma_start3A_282 = arith.constant 0 : i32
        %dma_start3A_283 = tpu.memref_slice %arg4[%multiple_of3A_275, %dma_start3A_282] : memref<819200x128xf32, #tpu.memory_space<hbm>> -> memref<400x64xf32, #tpu.memory_space<hbm>>
        %dma_start3A_284 = tpu.memref_slice %arg8[%dma_start3A_277] : memref<4x!tpu.dma_semaphore, #tpu.memory_space<semaphore_mem>> -> memref<1x!tpu.dma_semaphore, #tpu.memory_space<semaphore_mem>>
        %dma_start3A_285 = tpu.memref_squeeze %dma_start3A_284 : memref<1x!tpu.dma_semaphore, #tpu.memory_space<semaphore_mem>> -> memref<!tpu.dma_semaphore, #tpu.memory_space<semaphore_mem>>
        %dma_start3A_286 = arith.constant 0 : i32
        %dma_start3A_287 = tpu.memref_slice %arg4[%multiple_of3A_275, %dma_start3A_286] : memref<819200x128xf32, #tpu.memory_space<hbm>> -> memref<400x64xf32, #tpu.memory_space<hbm>>
        %dma_start3A_288 = arith.constant 0 : i32
        %dma_start3A_289 = arith.constant 0 : i32
        %dma_start3A_290 = tpu.memref_slice %arg6[%dma_start3A_276, %dma_start3A_288, %dma_start3A_289] : memref<4x400x64xf32, #tpu.memory_space<vmem>> -> memref<1x400x64xf32, #tpu.memory_space<vmem>>
        %dma_start3A_291 = tpu.memref_squeeze %dma_start3A_290 : memref<1x400x64xf32, #tpu.memory_space<vmem>> -> memref<400x64xf32, #tpu.memory_space<vmem>>
        tpu.enqueue_dma source(%dma_start3A_291 : memref<400x64xf32, #tpu.memory_space<vmem>>) target(%dma_start3A_287 : memref<400x64xf32, #tpu.memory_space<hbm>>) target_semaphore(%dma_start3A_285 : memref<!tpu.dma_semaphore, #tpu.memory_space<semaphore_mem>>)
      } else {
      }
      %mul3A_199 = arith.constant 4 : i32
      %mul3A_200 = arith.muli %scan3A_142, %mul3A_199 : i32
      %add3A_201 = arith.constant 2 : i32
      %add3A_202 = arith.addi %mul3A_200, %add3A_201 : i32
      %ge3A_203 = arith.constant 1 : i32
      %ge3A_204 = arith.cmpi sge, %scan3A_142, %ge3A_203 : i32
      %convert_element_type3A_205 = arith.extui %ge3A_204 : i1 to i32
      %cond3A_206 = arith.constant 0 : i32
      %cond3A_207 = arith.cmpi ne, %convert_element_type3A_205, %cond3A_206 : i32
      scf.if %cond3A_207 {
        %dma_wait3A_259 = arith.constant 2 : i32
        %dma_wait3A_260 = arith.constant 2 : i32
        %dma_wait3A_261 = arith.constant 0 : i32
        %dma_wait3A_262 = arith.constant 0 : i32
        %dma_wait3A_263 = tpu.memref_slice %arg6[%dma_wait3A_259, %dma_wait3A_261, %dma_wait3A_262] : memref<4x400x64xf32, #tpu.memory_space<vmem>> -> memref<1x400x64xf32, #tpu.memory_space<vmem>>
        %dma_wait3A_264 = tpu.memref_squeeze %dma_wait3A_263 : memref<1x400x64xf32, #tpu.memory_space<vmem>> -> memref<400x64xf32, #tpu.memory_space<vmem>>
        %dma_wait3A_265 = arith.constant 0 : i32
        %dma_wait3A_266 = arith.constant 0 : i32
        %dma_wait3A_267 = tpu.memref_slice %arg4[%dma_wait3A_265, %dma_wait3A_266] : memref<819200x128xf32, #tpu.memory_space<hbm>> -> memref<400x64xf32, #tpu.memory_space<hbm>>
        %dma_wait3A_268 = tpu.memref_slice %arg8[%dma_wait3A_260] : memref<4x!tpu.dma_semaphore, #tpu.memory_space<semaphore_mem>> -> memref<1x!tpu.dma_semaphore, #tpu.memory_space<semaphore_mem>>
        %dma_wait3A_269 = tpu.memref_squeeze %dma_wait3A_268 : memref<1x!tpu.dma_semaphore, #tpu.memory_space<semaphore_mem>> -> memref<!tpu.dma_semaphore, #tpu.memory_space<semaphore_mem>>
        %dma_wait3A_270 = arith.constant 0 : i32
        %dma_wait3A_271 = arith.constant 0 : i32
        %dma_wait3A_272 = tpu.memref_slice %arg4[%dma_wait3A_270, %dma_wait3A_271] : memref<819200x128xf32, #tpu.memory_space<hbm>> -> memref<400x64xf32, #tpu.memory_space<hbm>>
        %dma_wait3A_273 = arith.constant 0 : i32
        %dma_wait3A_274 = arith.constant 0 : i32
        %dma_wait3A_275 = tpu.memref_slice %arg6[%dma_wait3A_259, %dma_wait3A_273, %dma_wait3A_274] : memref<4x400x64xf32, #tpu.memory_space<vmem>> -> memref<1x400x64xf32, #tpu.memory_space<vmem>>
        %dma_wait3A_276 = tpu.memref_squeeze %dma_wait3A_275 : memref<1x400x64xf32, #tpu.memory_space<vmem>> -> memref<400x64xf32, #tpu.memory_space<vmem>>
        tpu.wait_dma2 semaphore(%dma_wait3A_269 : memref<!tpu.dma_semaphore, #tpu.memory_space<semaphore_mem>>) src(%dma_wait3A_276 : memref<400x64xf32, #tpu.memory_space<vmem>>) dst(%dma_wait3A_272 : memref<400x64xf32, #tpu.memory_space<hbm>>)
      } else {
      }
      %mul3A_208 = arith.constant 400 : i32
      %mul3A_209 = arith.muli %add3A_202, %mul3A_208 : i32
      %dma_start3A_210 = arith.constant 2 : i32
      %dma_start3A_211 = arith.constant 2 : i32
      %dma_start3A_212 = arith.constant 0 : i32
      %dma_start3A_213 = arith.constant 0 : i32
      %dma_start3A_214 = tpu.memref_slice %arg6[%dma_start3A_210, %dma_start3A_212, %dma_start3A_213] : memref<4x400x64xf32, #tpu.memory_space<vmem>> -> memref<1x400x64xf32, #tpu.memory_space<vmem>>
      %dma_start3A_215 = tpu.memref_squeeze %dma_start3A_214 : memref<1x400x64xf32, #tpu.memory_space<vmem>> -> memref<400x64xf32, #tpu.memory_space<vmem>>
      %dma_start3A_216 = tpu.memref_slice %arg5[%mul3A_209] : memref<25600xi32, #tpu.memory_space<vmem>> -> memref<400xi32, #tpu.memory_space<vmem>>
      %dma_start3A_217 = arith.constant 0 : i32
      %dma_start3A_218 = arith.constant 0 : i32
      %dma_start3A_219 = tpu.memref_slice %arg3[%dma_start3A_217, %dma_start3A_218] : memref<1000000x64xf32, #tpu.memory_space<hbm>> -> memref<1000000x64xf32, #tpu.memory_space<hbm>>
      %dma_start3A_220 = tpu.memref_slice %arg7[%dma_start3A_211] : memref<4x!tpu.dma_semaphore, #tpu.memory_space<semaphore_mem>> -> memref<1x!tpu.dma_semaphore, #tpu.memory_space<semaphore_mem>>
      %dma_start3A_221 = tpu.memref_squeeze %dma_start3A_220 : memref<1x!tpu.dma_semaphore, #tpu.memory_space<semaphore_mem>> -> memref<!tpu.dma_semaphore, #tpu.memory_space<semaphore_mem>>
      tpu.enqueue_indirect_dma source(%dma_start3A_219 : memref<1000000x64xf32, #tpu.memory_space<hbm>>) target(%dma_start3A_215 : memref<400x64xf32, #tpu.memory_space<vmem>>) offsets(%dma_start3A_216 : memref<400xi32, #tpu.memory_space<vmem>>) semaphore(%dma_start3A_221 : memref<!tpu.dma_semaphore, #tpu.memory_space<semaphore_mem>>)
      %sub3A_222 = arith.constant 2 : i32
      %sub3A_223 = arith.subi %add3A_202, %sub3A_222 : i32
      %ge3A_224 = arith.constant 0 : i32
      %ge3A_225 = arith.cmpi sge, %sub3A_223, %ge3A_224 : i32
      %convert_element_type3A_226 = arith.extui %ge3A_225 : i1 to i32
      %cond3A_227 = arith.constant 0 : i32
      %cond3A_228 = arith.cmpi ne, %convert_element_type3A_226, %cond3A_227 : i32
      scf.if %cond3A_228 {
        %dma_wait3A_259 = arith.constant 0 : i32
        %dma_wait3A_260 = arith.constant 0 : i32
        %dma_wait3A_261 = arith.constant 0 : i32
        %dma_wait3A_262 = arith.constant 0 : i32
        %dma_wait3A_263 = tpu.memref_slice %arg6[%dma_wait3A_259, %dma_wait3A_261, %dma_wait3A_262] : memref<4x400x64xf32, #tpu.memory_space<vmem>> -> memref<1x400x64xf32, #tpu.memory_space<vmem>>
        %dma_wait3A_264 = tpu.memref_squeeze %dma_wait3A_263 : memref<1x400x64xf32, #tpu.memory_space<vmem>> -> memref<400x64xf32, #tpu.memory_space<vmem>>
        %dma_wait3A_265 = arith.constant 0 : i32
        %dma_wait3A_266 = tpu.memref_slice %arg5[%dma_wait3A_265] : memref<25600xi32, #tpu.memory_space<vmem>> -> memref<400xi32, #tpu.memory_space<vmem>>
        %dma_wait3A_267 = arith.constant 0 : i32
        %dma_wait3A_268 = arith.constant 0 : i32
        %dma_wait3A_269 = tpu.memref_slice %arg3[%dma_wait3A_267, %dma_wait3A_268] : memref<1000000x64xf32, #tpu.memory_space<hbm>> -> memref<1000000x64xf32, #tpu.memory_space<hbm>>
        %dma_wait3A_270 = tpu.memref_slice %arg7[%dma_wait3A_260] : memref<4x!tpu.dma_semaphore, #tpu.memory_space<semaphore_mem>> -> memref<1x!tpu.dma_semaphore, #tpu.memory_space<semaphore_mem>>
        %dma_wait3A_271 = tpu.memref_squeeze %dma_wait3A_270 : memref<1x!tpu.dma_semaphore, #tpu.memory_space<semaphore_mem>> -> memref<!tpu.dma_semaphore, #tpu.memory_space<semaphore_mem>>
        tpu.wait_indirect_dma semaphore(%dma_wait3A_271 : memref<!tpu.dma_semaphore, #tpu.memory_space<semaphore_mem>>) src(%dma_wait3A_269 : memref<1000000x64xf32, #tpu.memory_space<hbm>>) dst(%dma_wait3A_264 : memref<400x64xf32, #tpu.memory_space<vmem>>)
        %mul3A_272 = arith.constant 400 : i32
        %mul3A_273 = arith.muli %sub3A_223, %mul3A_272 : i32
        %add3A_274 = arith.addi %multiple_of3A, %mul3A_273 : i32
        %multiple_of3A_275 = tpu.assume_multiple %add3A_274, 8 : i32
        %dma_start3A_276 = arith.constant 0 : i32
        %dma_start3A_277 = arith.constant 0 : i32
        %dma_start3A_278 = arith.constant 0 : i32
        %dma_start3A_279 = arith.constant 0 : i32
        %dma_start3A_280 = tpu.memref_slice %arg6[%dma_start3A_276, %dma_start3A_278, %dma_start3A_279] : memref<4x400x64xf32, #tpu.memory_space<vmem>> -> memref<1x400x64xf32, #tpu.memory_space<vmem>>
        %dma_start3A_281 = tpu.memref_squeeze %dma_start3A_280 : memref<1x400x64xf32, #tpu.memory_space<vmem>> -> memref<400x64xf32, #tpu.memory_space<vmem>>
        %dma_start3A_282 = arith.constant 0 : i32
        %dma_start3A_283 = tpu.memref_slice %arg4[%multiple_of3A_275, %dma_start3A_282] : memref<819200x128xf32, #tpu.memory_space<hbm>> -> memref<400x64xf32, #tpu.memory_space<hbm>>
        %dma_start3A_284 = tpu.memref_slice %arg8[%dma_start3A_277] : memref<4x!tpu.dma_semaphore, #tpu.memory_space<semaphore_mem>> -> memref<1x!tpu.dma_semaphore, #tpu.memory_space<semaphore_mem>>
        %dma_start3A_285 = tpu.memref_squeeze %dma_start3A_284 : memref<1x!tpu.dma_semaphore, #tpu.memory_space<semaphore_mem>> -> memref<!tpu.dma_semaphore, #tpu.memory_space<semaphore_mem>>
        %dma_start3A_286 = arith.constant 0 : i32
        %dma_start3A_287 = tpu.memref_slice %arg4[%multiple_of3A_275, %dma_start3A_286] : memref<819200x128xf32, #tpu.memory_space<hbm>> -> memref<400x64xf32, #tpu.memory_space<hbm>>
        %dma_start3A_288 = arith.constant 0 : i32
        %dma_start3A_289 = arith.constant 0 : i32
        %dma_start3A_290 = tpu.memref_slice %arg6[%dma_start3A_276, %dma_start3A_288, %dma_start3A_289] : memref<4x400x64xf32, #tpu.memory_space<vmem>> -> memref<1x400x64xf32, #tpu.memory_space<vmem>>
        %dma_start3A_291 = tpu.memref_squeeze %dma_start3A_290 : memref<1x400x64xf32, #tpu.memory_space<vmem>> -> memref<400x64xf32, #tpu.memory_space<vmem>>
        tpu.enqueue_dma source(%dma_start3A_291 : memref<400x64xf32, #tpu.memory_space<vmem>>) target(%dma_start3A_287 : memref<400x64xf32, #tpu.memory_space<hbm>>) target_semaphore(%dma_start3A_285 : memref<!tpu.dma_semaphore, #tpu.memory_space<semaphore_mem>>)
      } else {
      }
      %mul3A_229 = arith.constant 4 : i32
      %mul3A_230 = arith.muli %scan3A_142, %mul3A_229 : i32
      %add3A_231 = arith.constant 3 : i32
      %add3A_232 = arith.addi %mul3A_230, %add3A_231 : i32
      %ge3A_233 = arith.constant 1 : i32
      %ge3A_234 = arith.cmpi sge, %scan3A_142, %ge3A_233 : i32
      %convert_element_type3A_235 = arith.extui %ge3A_234 : i1 to i32
      %cond3A_236 = arith.constant 0 : i32
      %cond3A_237 = arith.cmpi ne, %convert_element_type3A_235, %cond3A_236 : i32
      scf.if %cond3A_237 {
        %dma_wait3A_259 = arith.constant 3 : i32
        %dma_wait3A_260 = arith.constant 3 : i32
        %dma_wait3A_261 = arith.constant 0 : i32
        %dma_wait3A_262 = arith.constant 0 : i32
        %dma_wait3A_263 = tpu.memref_slice %arg6[%dma_wait3A_259, %dma_wait3A_261, %dma_wait3A_262] : memref<4x400x64xf32, #tpu.memory_space<vmem>> -> memref<1x400x64xf32, #tpu.memory_space<vmem>>
        %dma_wait3A_264 = tpu.memref_squeeze %dma_wait3A_263 : memref<1x400x64xf32, #tpu.memory_space<vmem>> -> memref<400x64xf32, #tpu.memory_space<vmem>>
        %dma_wait3A_265 = arith.constant 0 : i32
        %dma_wait3A_266 = arith.constant 0 : i32
        %dma_wait3A_267 = tpu.memref_slice %arg4[%dma_wait3A_265, %dma_wait3A_266] : memref<819200x128xf32, #tpu.memory_space<hbm>> -> memref<400x64xf32, #tpu.memory_space<hbm>>
        %dma_wait3A_268 = tpu.memref_slice %arg8[%dma_wait3A_260] : memref<4x!tpu.dma_semaphore, #tpu.memory_space<semaphore_mem>> -> memref<1x!tpu.dma_semaphore, #tpu.memory_space<semaphore_mem>>
        %dma_wait3A_269 = tpu.memref_squeeze %dma_wait3A_268 : memref<1x!tpu.dma_semaphore, #tpu.memory_space<semaphore_mem>> -> memref<!tpu.dma_semaphore, #tpu.memory_space<semaphore_mem>>
        %dma_wait3A_270 = arith.constant 0 : i32
        %dma_wait3A_271 = arith.constant 0 : i32
        %dma_wait3A_272 = tpu.memref_slice %arg4[%dma_wait3A_270, %dma_wait3A_271] : memref<819200x128xf32, #tpu.memory_space<hbm>> -> memref<400x64xf32, #tpu.memory_space<hbm>>
        %dma_wait3A_273 = arith.constant 0 : i32
        %dma_wait3A_274 = arith.constant 0 : i32
        %dma_wait3A_275 = tpu.memref_slice %arg6[%dma_wait3A_259, %dma_wait3A_273, %dma_wait3A_274] : memref<4x400x64xf32, #tpu.memory_space<vmem>> -> memref<1x400x64xf32, #tpu.memory_space<vmem>>
        %dma_wait3A_276 = tpu.memref_squeeze %dma_wait3A_275 : memref<1x400x64xf32, #tpu.memory_space<vmem>> -> memref<400x64xf32, #tpu.memory_space<vmem>>
        tpu.wait_dma2 semaphore(%dma_wait3A_269 : memref<!tpu.dma_semaphore, #tpu.memory_space<semaphore_mem>>) src(%dma_wait3A_276 : memref<400x64xf32, #tpu.memory_space<vmem>>) dst(%dma_wait3A_272 : memref<400x64xf32, #tpu.memory_space<hbm>>)
      } else {
      }
      %mul3A_238 = arith.constant 400 : i32
      %mul3A_239 = arith.muli %add3A_232, %mul3A_238 : i32
      %dma_start3A_240 = arith.constant 3 : i32
      %dma_start3A_241 = arith.constant 3 : i32
      %dma_start3A_242 = arith.constant 0 : i32
      %dma_start3A_243 = arith.constant 0 : i32
      %dma_start3A_244 = tpu.memref_slice %arg6[%dma_start3A_240, %dma_start3A_242, %dma_start3A_243] : memref<4x400x64xf32, #tpu.memory_space<vmem>> -> memref<1x400x64xf32, #tpu.memory_space<vmem>>
      %dma_start3A_245 = tpu.memref_squeeze %dma_start3A_244 : memref<1x400x64xf32, #tpu.memory_space<vmem>> -> memref<400x64xf32, #tpu.memory_space<vmem>>
      %dma_start3A_246 = tpu.memref_slice %arg5[%mul3A_239] : memref<25600xi32, #tpu.memory_space<vmem>> -> memref<400xi32, #tpu.memory_space<vmem>>
      %dma_start3A_247 = arith.constant 0 : i32
      %dma_start3A_248 = arith.constant 0 : i32
      %dma_start3A_249 = tpu.memref_slice %arg3[%dma_start3A_247, %dma_start3A_248] : memref<1000000x64xf32, #tpu.memory_space<hbm>> -> memref<1000000x64xf32, #tpu.memory_space<hbm>>
      %dma_start3A_250 = tpu.memref_slice %arg7[%dma_start3A_241] : memref<4x!tpu.dma_semaphore, #tpu.memory_space<semaphore_mem>> -> memref<1x!tpu.dma_semaphore, #tpu.memory_space<semaphore_mem>>
      %dma_start3A_251 = tpu.memref_squeeze %dma_start3A_250 : memref<1x!tpu.dma_semaphore, #tpu.memory_space<semaphore_mem>> -> memref<!tpu.dma_semaphore, #tpu.memory_space<semaphore_mem>>
      tpu.enqueue_indirect_dma source(%dma_start3A_249 : memref<1000000x64xf32, #tpu.memory_space<hbm>>) target(%dma_start3A_245 : memref<400x64xf32, #tpu.memory_space<vmem>>) offsets(%dma_start3A_246 : memref<400xi32, #tpu.memory_space<vmem>>) semaphore(%dma_start3A_251 : memref<!tpu.dma_semaphore, #tpu.memory_space<semaphore_mem>>)
      %sub3A_252 = arith.constant 2 : i32
      %sub3A_253 = arith.subi %add3A_232, %sub3A_252 : i32
      %ge3A_254 = arith.constant 0 : i32
      %ge3A_255 = arith.cmpi sge, %sub3A_253, %ge3A_254 : i32
      %convert_element_type3A_256 = arith.extui %ge3A_255 : i1 to i32
      %cond3A_257 = arith.constant 0 : i32
      %cond3A_258 = arith.cmpi ne, %convert_element_type3A_256, %cond3A_257 : i32
      scf.if %cond3A_258 {
        %dma_wait3A_259 = arith.constant 1 : i32
        %dma_wait3A_260 = arith.constant 1 : i32
        %dma_wait3A_261 = arith.constant 0 : i32
        %dma_wait3A_262 = arith.constant 0 : i32
        %dma_wait3A_263 = tpu.memref_slice %arg6[%dma_wait3A_259, %dma_wait3A_261, %dma_wait3A_262] : memref<4x400x64xf32, #tpu.memory_space<vmem>> -> memref<1x400x64xf32, #tpu.memory_space<vmem>>
        %dma_wait3A_264 = tpu.memref_squeeze %dma_wait3A_263 : memref<1x400x64xf32, #tpu.memory_space<vmem>> -> memref<400x64xf32, #tpu.memory_space<vmem>>
        %dma_wait3A_265 = arith.constant 0 : i32
        %dma_wait3A_266 = tpu.memref_slice %arg5[%dma_wait3A_265] : memref<25600xi32, #tpu.memory_space<vmem>> -> memref<400xi32, #tpu.memory_space<vmem>>
        %dma_wait3A_267 = arith.constant 0 : i32
        %dma_wait3A_268 = arith.constant 0 : i32
        %dma_wait3A_269 = tpu.memref_slice %arg3[%dma_wait3A_267, %dma_wait3A_268] : memref<1000000x64xf32, #tpu.memory_space<hbm>> -> memref<1000000x64xf32, #tpu.memory_space<hbm>>
        %dma_wait3A_270 = tpu.memref_slice %arg7[%dma_wait3A_260] : memref<4x!tpu.dma_semaphore, #tpu.memory_space<semaphore_mem>> -> memref<1x!tpu.dma_semaphore, #tpu.memory_space<semaphore_mem>>
        %dma_wait3A_271 = tpu.memref_squeeze %dma_wait3A_270 : memref<1x!tpu.dma_semaphore, #tpu.memory_space<semaphore_mem>> -> memref<!tpu.dma_semaphore, #tpu.memory_space<semaphore_mem>>
        tpu.wait_indirect_dma semaphore(%dma_wait3A_271 : memref<!tpu.dma_semaphore, #tpu.memory_space<semaphore_mem>>) src(%dma_wait3A_269 : memref<1000000x64xf32, #tpu.memory_space<hbm>>) dst(%dma_wait3A_264 : memref<400x64xf32, #tpu.memory_space<vmem>>)
        %mul3A_272 = arith.constant 400 : i32
        %mul3A_273 = arith.muli %sub3A_253, %mul3A_272 : i32
        %add3A_274 = arith.addi %multiple_of3A, %mul3A_273 : i32
        %multiple_of3A_275 = tpu.assume_multiple %add3A_274, 8 : i32
        %dma_start3A_276 = arith.constant 1 : i32
        %dma_start3A_277 = arith.constant 1 : i32
        %dma_start3A_278 = arith.constant 0 : i32
        %dma_start3A_279 = arith.constant 0 : i32
        %dma_start3A_280 = tpu.memref_slice %arg6[%dma_start3A_276, %dma_start3A_278, %dma_start3A_279] : memref<4x400x64xf32, #tpu.memory_space<vmem>> -> memref<1x400x64xf32, #tpu.memory_space<vmem>>
        %dma_start3A_281 = tpu.memref_squeeze %dma_start3A_280 : memref<1x400x64xf32, #tpu.memory_space<vmem>> -> memref<400x64xf32, #tpu.memory_space<vmem>>
        %dma_start3A_282 = arith.constant 0 : i32
        %dma_start3A_283 = tpu.memref_slice %arg4[%multiple_of3A_275, %dma_start3A_282] : memref<819200x128xf32, #tpu.memory_space<hbm>> -> memref<400x64xf32, #tpu.memory_space<hbm>>
        %dma_start3A_284 = tpu.memref_slice %arg8[%dma_start3A_277] : memref<4x!tpu.dma_semaphore, #tpu.memory_space<semaphore_mem>> -> memref<1x!tpu.dma_semaphore, #tpu.memory_space<semaphore_mem>>
        %dma_start3A_285 = tpu.memref_squeeze %dma_start3A_284 : memref<1x!tpu.dma_semaphore, #tpu.memory_space<semaphore_mem>> -> memref<!tpu.dma_semaphore, #tpu.memory_space<semaphore_mem>>
        %dma_start3A_286 = arith.constant 0 : i32
        %dma_start3A_287 = tpu.memref_slice %arg4[%multiple_of3A_275, %dma_start3A_286] : memref<819200x128xf32, #tpu.memory_space<hbm>> -> memref<400x64xf32, #tpu.memory_space<hbm>>
        %dma_start3A_288 = arith.constant 0 : i32
        %dma_start3A_289 = arith.constant 0 : i32
        %dma_start3A_290 = tpu.memref_slice %arg6[%dma_start3A_276, %dma_start3A_288, %dma_start3A_289] : memref<4x400x64xf32, #tpu.memory_space<vmem>> -> memref<1x400x64xf32, #tpu.memory_space<vmem>>
        %dma_start3A_291 = tpu.memref_squeeze %dma_start3A_290 : memref<1x400x64xf32, #tpu.memory_space<vmem>> -> memref<400x64xf32, #tpu.memory_space<vmem>>
        tpu.enqueue_dma source(%dma_start3A_291 : memref<400x64xf32, #tpu.memory_space<vmem>>) target(%dma_start3A_287 : memref<400x64xf32, #tpu.memory_space<hbm>>) target_semaphore(%dma_start3A_285 : memref<!tpu.dma_semaphore, #tpu.memory_space<semaphore_mem>>)
      } else {
      }
    }
    %scan3A_7 = arith.constant 16 : i32
    %dma_wait3A = arith.constant 2 : i32
    %dma_wait3A_8 = arith.constant 2 : i32
    %dma_wait3A_9 = arith.constant 0 : i32
    %dma_wait3A_10 = arith.constant 0 : i32
    %dma_wait3A_11 = tpu.memref_slice %arg6[%dma_wait3A, %dma_wait3A_9, %dma_wait3A_10] : memref<4x400x64xf32, #tpu.memory_space<vmem>> -> memref<1x400x64xf32, #tpu.memory_space<vmem>>
    %dma_wait3A_12 = tpu.memref_squeeze %dma_wait3A_11 : memref<1x400x64xf32, #tpu.memory_space<vmem>> -> memref<400x64xf32, #tpu.memory_space<vmem>>
    %dma_wait3A_13 = arith.constant 0 : i32
    %dma_wait3A_14 = tpu.memref_slice %arg5[%dma_wait3A_13] : memref<25600xi32, #tpu.memory_space<vmem>> -> memref<400xi32, #tpu.memory_space<vmem>>
    %dma_wait3A_15 = arith.constant 0 : i32
    %dma_wait3A_16 = arith.constant 0 : i32
    %dma_wait3A_17 = tpu.memref_slice %arg3[%dma_wait3A_15, %dma_wait3A_16] : memref<1000000x64xf32, #tpu.memory_space<hbm>> -> memref<1000000x64xf32, #tpu.memory_space<hbm>>
    %dma_wait3A_18 = tpu.memref_slice %arg7[%dma_wait3A_8] : memref<4x!tpu.dma_semaphore, #tpu.memory_space<semaphore_mem>> -> memref<1x!tpu.dma_semaphore, #tpu.memory_space<semaphore_mem>>
    %dma_wait3A_19 = tpu.memref_squeeze %dma_wait3A_18 : memref<1x!tpu.dma_semaphore, #tpu.memory_space<semaphore_mem>> -> memref<!tpu.dma_semaphore, #tpu.memory_space<semaphore_mem>>
    tpu.wait_indirect_dma semaphore(%dma_wait3A_19 : memref<!tpu.dma_semaphore, #tpu.memory_space<semaphore_mem>>) src(%dma_wait3A_17 : memref<1000000x64xf32, #tpu.memory_space<hbm>>) dst(%dma_wait3A_12 : memref<400x64xf32, #tpu.memory_space<vmem>>)
    %add3A_20 = arith.constant 24800 : i32
    %add3A_21 = arith.addi %multiple_of3A, %add3A_20 : i32
    %multiple_of3A_22 = tpu.assume_multiple %add3A_21, 8 : i32
    %dma_start3A = arith.constant 2 : i32
    %dma_start3A_23 = arith.constant 2 : i32
    %dma_start3A_24 = arith.constant 0 : i32
    %dma_start3A_25 = arith.constant 0 : i32
    %dma_start3A_26 = tpu.memref_slice %arg6[%dma_start3A, %dma_start3A_24, %dma_start3A_25] : memref<4x400x64xf32, #tpu.memory_space<vmem>> -> memref<1x400x64xf32, #tpu.memory_space<vmem>>
    %dma_start3A_27 = tpu.memref_squeeze %dma_start3A_26 : memref<1x400x64xf32, #tpu.memory_space<vmem>> -> memref<400x64xf32, #tpu.memory_space<vmem>>
    %dma_start3A_28 = arith.constant 0 : i32
    %dma_start3A_29 = tpu.memref_slice %arg4[%multiple_of3A_22, %dma_start3A_28] : memref<819200x128xf32, #tpu.memory_space<hbm>> -> memref<400x64xf32, #tpu.memory_space<hbm>>
    %dma_start3A_30 = tpu.memref_slice %arg8[%dma_start3A_23] : memref<4x!tpu.dma_semaphore, #tpu.memory_space<semaphore_mem>> -> memref<1x!tpu.dma_semaphore, #tpu.memory_space<semaphore_mem>>
    %dma_start3A_31 = tpu.memref_squeeze %dma_start3A_30 : memref<1x!tpu.dma_semaphore, #tpu.memory_space<semaphore_mem>> -> memref<!tpu.dma_semaphore, #tpu.memory_space<semaphore_mem>>
    %dma_start3A_32 = arith.constant 0 : i32
    %dma_start3A_33 = tpu.memref_slice %arg4[%multiple_of3A_22, %dma_start3A_32] : memref<819200x128xf32, #tpu.memory_space<hbm>> -> memref<400x64xf32, #tpu.memory_space<hbm>>
    %dma_start3A_34 = arith.constant 0 : i32
    %dma_start3A_35 = arith.constant 0 : i32
    %dma_start3A_36 = tpu.memref_slice %arg6[%dma_start3A, %dma_start3A_34, %dma_start3A_35] : memref<4x400x64xf32, #tpu.memory_space<vmem>> -> memref<1x400x64xf32, #tpu.memory_space<vmem>>
    %dma_start3A_37 = tpu.memref_squeeze %dma_start3A_36 : memref<1x400x64xf32, #tpu.memory_space<vmem>> -> memref<400x64xf32, #tpu.memory_space<vmem>>
    tpu.enqueue_dma source(%dma_start3A_37 : memref<400x64xf32, #tpu.memory_space<vmem>>) target(%dma_start3A_33 : memref<400x64xf32, #tpu.memory_space<hbm>>) target_semaphore(%dma_start3A_31 : memref<!tpu.dma_semaphore, #tpu.memory_space<semaphore_mem>>)
    %dma_wait3A_38 = arith.constant 3 : i32
    %dma_wait3A_39 = arith.constant 3 : i32
    %dma_wait3A_40 = arith.constant 0 : i32
    %dma_wait3A_41 = arith.constant 0 : i32
    %dma_wait3A_42 = tpu.memref_slice %arg6[%dma_wait3A_38, %dma_wait3A_40, %dma_wait3A_41] : memref<4x400x64xf32, #tpu.memory_space<vmem>> -> memref<1x400x64xf32, #tpu.memory_space<vmem>>
    %dma_wait3A_43 = tpu.memref_squeeze %dma_wait3A_42 : memref<1x400x64xf32, #tpu.memory_space<vmem>> -> memref<400x64xf32, #tpu.memory_space<vmem>>
    %dma_wait3A_44 = arith.constant 0 : i32
    %dma_wait3A_45 = tpu.memref_slice %arg5[%dma_wait3A_44] : memref<25600xi32, #tpu.memory_space<vmem>> -> memref<400xi32, #tpu.memory_space<vmem>>
    %dma_wait3A_46 = arith.constant 0 : i32
    %dma_wait3A_47 = arith.constant 0 : i32
    %dma_wait3A_48 = tpu.memref_slice %arg3[%dma_wait3A_46, %dma_wait3A_47] : memref<1000000x64xf32, #tpu.memory_space<hbm>> -> memref<1000000x64xf32, #tpu.memory_space<hbm>>
    %dma_wait3A_49 = tpu.memref_slice %arg7[%dma_wait3A_39] : memref<4x!tpu.dma_semaphore, #tpu.memory_space<semaphore_mem>> -> memref<1x!tpu.dma_semaphore, #tpu.memory_space<semaphore_mem>>
    %dma_wait3A_50 = tpu.memref_squeeze %dma_wait3A_49 : memref<1x!tpu.dma_semaphore, #tpu.memory_space<semaphore_mem>> -> memref<!tpu.dma_semaphore, #tpu.memory_space<semaphore_mem>>
    tpu.wait_indirect_dma semaphore(%dma_wait3A_50 : memref<!tpu.dma_semaphore, #tpu.memory_space<semaphore_mem>>) src(%dma_wait3A_48 : memref<1000000x64xf32, #tpu.memory_space<hbm>>) dst(%dma_wait3A_43 : memref<400x64xf32, #tpu.memory_space<vmem>>)
    %add3A_51 = arith.constant 25200 : i32
    %add3A_52 = arith.addi %multiple_of3A, %add3A_51 : i32
    %multiple_of3A_53 = tpu.assume_multiple %add3A_52, 8 : i32
    %dma_start3A_54 = arith.constant 3 : i32
    %dma_start3A_55 = arith.constant 3 : i32
    %dma_start3A_56 = arith.constant 0 : i32
    %dma_start3A_57 = arith.constant 0 : i32
    %dma_start3A_58 = tpu.memref_slice %arg6[%dma_start3A_54, %dma_start3A_56, %dma_start3A_57] : memref<4x400x64xf32, #tpu.memory_space<vmem>> -> memref<1x400x64xf32, #tpu.memory_space<vmem>>
    %dma_start3A_59 = tpu.memref_squeeze %dma_start3A_58 : memref<1x400x64xf32, #tpu.memory_space<vmem>> -> memref<400x64xf32, #tpu.memory_space<vmem>>
    %dma_start3A_60 = arith.constant 0 : i32
    %dma_start3A_61 = tpu.memref_slice %arg4[%multiple_of3A_53, %dma_start3A_60] : memref<819200x128xf32, #tpu.memory_space<hbm>> -> memref<400x64xf32, #tpu.memory_space<hbm>>
    %dma_start3A_62 = tpu.memref_slice %arg8[%dma_start3A_55] : memref<4x!tpu.dma_semaphore, #tpu.memory_space<semaphore_mem>> -> memref<1x!tpu.dma_semaphore, #tpu.memory_space<semaphore_mem>>
    %dma_start3A_63 = tpu.memref_squeeze %dma_start3A_62 : memref<1x!tpu.dma_semaphore, #tpu.memory_space<semaphore_mem>> -> memref<!tpu.dma_semaphore, #tpu.memory_space<semaphore_mem>>
    %dma_start3A_64 = arith.constant 0 : i32
    %dma_start3A_65 = tpu.memref_slice %arg4[%multiple_of3A_53, %dma_start3A_64] : memref<819200x128xf32, #tpu.memory_space<hbm>> -> memref<400x64xf32, #tpu.memory_space<hbm>>
    %dma_start3A_66 = arith.constant 0 : i32
    %dma_start3A_67 = arith.constant 0 : i32
    %dma_start3A_68 = tpu.memref_slice %arg6[%dma_start3A_54, %dma_start3A_66, %dma_start3A_67] : memref<4x400x64xf32, #tpu.memory_space<vmem>> -> memref<1x400x64xf32, #tpu.memory_space<vmem>>
    %dma_start3A_69 = tpu.memref_squeeze %dma_start3A_68 : memref<1x400x64xf32, #tpu.memory_space<vmem>> -> memref<400x64xf32, #tpu.memory_space<vmem>>
    tpu.enqueue_dma source(%dma_start3A_69 : memref<400x64xf32, #tpu.memory_space<vmem>>) target(%dma_start3A_65 : memref<400x64xf32, #tpu.memory_space<hbm>>) target_semaphore(%dma_start3A_63 : memref<!tpu.dma_semaphore, #tpu.memory_space<semaphore_mem>>)
    %dma_wait3A_70 = arith.constant 0 : i32
    %dma_wait3A_71 = arith.constant 0 : i32
    %dma_wait3A_72 = arith.constant 0 : i32
    %dma_wait3A_73 = arith.constant 0 : i32
    %dma_wait3A_74 = tpu.memref_slice %arg6[%dma_wait3A_70, %dma_wait3A_72, %dma_wait3A_73] : memref<4x400x64xf32, #tpu.memory_space<vmem>> -> memref<1x400x64xf32, #tpu.memory_space<vmem>>
    %dma_wait3A_75 = tpu.memref_squeeze %dma_wait3A_74 : memref<1x400x64xf32, #tpu.memory_space<vmem>> -> memref<400x64xf32, #tpu.memory_space<vmem>>
    %dma_wait3A_76 = arith.constant 0 : i32
    %dma_wait3A_77 = arith.constant 0 : i32
    %dma_wait3A_78 = tpu.memref_slice %arg4[%dma_wait3A_76, %dma_wait3A_77] : memref<819200x128xf32, #tpu.memory_space<hbm>> -> memref<400x64xf32, #tpu.memory_space<hbm>>
    %dma_wait3A_79 = tpu.memref_slice %arg8[%dma_wait3A_71] : memref<4x!tpu.dma_semaphore, #tpu.memory_space<semaphore_mem>> -> memref<1x!tpu.dma_semaphore, #tpu.memory_space<semaphore_mem>>
    %dma_wait3A_80 = tpu.memref_squeeze %dma_wait3A_79 : memref<1x!tpu.dma_semaphore, #tpu.memory_space<semaphore_mem>> -> memref<!tpu.dma_semaphore, #tpu.memory_space<semaphore_mem>>
    %dma_wait3A_81 = arith.constant 0 : i32
    %dma_wait3A_82 = arith.constant 0 : i32
    %dma_wait3A_83 = tpu.memref_slice %arg4[%dma_wait3A_81, %dma_wait3A_82] : memref<819200x128xf32, #tpu.memory_space<hbm>> -> memref<400x64xf32, #tpu.memory_space<hbm>>
    %dma_wait3A_84 = arith.constant 0 : i32
    %dma_wait3A_85 = arith.constant 0 : i32
    %dma_wait3A_86 = tpu.memref_slice %arg6[%dma_wait3A_70, %dma_wait3A_84, %dma_wait3A_85] : memref<4x400x64xf32, #tpu.memory_space<vmem>> -> memref<1x400x64xf32, #tpu.memory_space<vmem>>
    %dma_wait3A_87 = tpu.memref_squeeze %dma_wait3A_86 : memref<1x400x64xf32, #tpu.memory_space<vmem>> -> memref<400x64xf32, #tpu.memory_space<vmem>>
    tpu.wait_dma2 semaphore(%dma_wait3A_80 : memref<!tpu.dma_semaphore, #tpu.memory_space<semaphore_mem>>) src(%dma_wait3A_87 : memref<400x64xf32, #tpu.memory_space<vmem>>) dst(%dma_wait3A_83 : memref<400x64xf32, #tpu.memory_space<hbm>>)
    %dma_wait3A_88 = arith.constant 1 : i32
    %dma_wait3A_89 = arith.constant 1 : i32
    %dma_wait3A_90 = arith.constant 0 : i32
    %dma_wait3A_91 = arith.constant 0 : i32
    %dma_wait3A_92 = tpu.memref_slice %arg6[%dma_wait3A_88, %dma_wait3A_90, %dma_wait3A_91] : memref<4x400x64xf32, #tpu.memory_space<vmem>> -> memref<1x400x64xf32, #tpu.memory_space<vmem>>
    %dma_wait3A_93 = tpu.memref_squeeze %dma_wait3A_92 : memref<1x400x64xf32, #tpu.memory_space<vmem>> -> memref<400x64xf32, #tpu.memory_space<vmem>>
    %dma_wait3A_94 = arith.constant 0 : i32
    %dma_wait3A_95 = arith.constant 0 : i32
    %dma_wait3A_96 = tpu.memref_slice %arg4[%dma_wait3A_94, %dma_wait3A_95] : memref<819200x128xf32, #tpu.memory_space<hbm>> -> memref<400x64xf32, #tpu.memory_space<hbm>>
    %dma_wait3A_97 = tpu.memref_slice %arg8[%dma_wait3A_89] : memref<4x!tpu.dma_semaphore, #tpu.memory_space<semaphore_mem>> -> memref<1x!tpu.dma_semaphore, #tpu.memory_space<semaphore_mem>>
    %dma_wait3A_98 = tpu.memref_squeeze %dma_wait3A_97 : memref<1x!tpu.dma_semaphore, #tpu.memory_space<semaphore_mem>> -> memref<!tpu.dma_semaphore, #tpu.memory_space<semaphore_mem>>
    %dma_wait3A_99 = arith.constant 0 : i32
    %dma_wait3A_100 = arith.constant 0 : i32
    %dma_wait3A_101 = tpu.memref_slice %arg4[%dma_wait3A_99, %dma_wait3A_100] : memref<819200x128xf32, #tpu.memory_space<hbm>> -> memref<400x64xf32, #tpu.memory_space<hbm>>
    %dma_wait3A_102 = arith.constant 0 : i32
    %dma_wait3A_103 = arith.constant 0 : i32
    %dma_wait3A_104 = tpu.memref_slice %arg6[%dma_wait3A_88, %dma_wait3A_102, %dma_wait3A_103] : memref<4x400x64xf32, #tpu.memory_space<vmem>> -> memref<1x400x64xf32, #tpu.memory_space<vmem>>
    %dma_wait3A_105 = tpu.memref_squeeze %dma_wait3A_104 : memref<1x400x64xf32, #tpu.memory_space<vmem>> -> memref<400x64xf32, #tpu.memory_space<vmem>>
    tpu.wait_dma2 semaphore(%dma_wait3A_98 : memref<!tpu.dma_semaphore, #tpu.memory_space<semaphore_mem>>) src(%dma_wait3A_105 : memref<400x64xf32, #tpu.memory_space<vmem>>) dst(%dma_wait3A_101 : memref<400x64xf32, #tpu.memory_space<hbm>>)
    %dma_wait3A_106 = arith.constant 2 : i32
    %dma_wait3A_107 = arith.constant 2 : i32
    %dma_wait3A_108 = arith.constant 0 : i32
    %dma_wait3A_109 = arith.constant 0 : i32
    %dma_wait3A_110 = tpu.memref_slice %arg6[%dma_wait3A_106, %dma_wait3A_108, %dma_wait3A_109] : memref<4x400x64xf32, #tpu.memory_space<vmem>> -> memref<1x400x64xf32, #tpu.memory_space<vmem>>
    %dma_wait3A_111 = tpu.memref_squeeze %dma_wait3A_110 : memref<1x400x64xf32, #tpu.memory_space<vmem>> -> memref<400x64xf32, #tpu.memory_space<vmem>>
    %dma_wait3A_112 = arith.constant 0 : i32
    %dma_wait3A_113 = arith.constant 0 : i32
    %dma_wait3A_114 = tpu.memref_slice %arg4[%dma_wait3A_112, %dma_wait3A_113] : memref<819200x128xf32, #tpu.memory_space<hbm>> -> memref<400x64xf32, #tpu.memory_space<hbm>>
    %dma_wait3A_115 = tpu.memref_slice %arg8[%dma_wait3A_107] : memref<4x!tpu.dma_semaphore, #tpu.memory_space<semaphore_mem>> -> memref<1x!tpu.dma_semaphore, #tpu.memory_space<semaphore_mem>>
    %dma_wait3A_116 = tpu.memref_squeeze %dma_wait3A_115 : memref<1x!tpu.dma_semaphore, #tpu.memory_space<semaphore_mem>> -> memref<!tpu.dma_semaphore, #tpu.memory_space<semaphore_mem>>
    %dma_wait3A_117 = arith.constant 0 : i32
    %dma_wait3A_118 = arith.constant 0 : i32
    %dma_wait3A_119 = tpu.memref_slice %arg4[%dma_wait3A_117, %dma_wait3A_118] : memref<819200x128xf32, #tpu.memory_space<hbm>> -> memref<400x64xf32, #tpu.memory_space<hbm>>
    %dma_wait3A_120 = arith.constant 0 : i32
    %dma_wait3A_121 = arith.constant 0 : i32
    %dma_wait3A_122 = tpu.memref_slice %arg6[%dma_wait3A_106, %dma_wait3A_120, %dma_wait3A_121] : memref<4x400x64xf32, #tpu.memory_space<vmem>> -> memref<1x400x64xf32, #tpu.memory_space<vmem>>
    %dma_wait3A_123 = tpu.memref_squeeze %dma_wait3A_122 : memref<1x400x64xf32, #tpu.memory_space<vmem>> -> memref<400x64xf32, #tpu.memory_space<vmem>>
    tpu.wait_dma2 semaphore(%dma_wait3A_116 : memref<!tpu.dma_semaphore, #tpu.memory_space<semaphore_mem>>) src(%dma_wait3A_123 : memref<400x64xf32, #tpu.memory_space<vmem>>) dst(%dma_wait3A_119 : memref<400x64xf32, #tpu.memory_space<hbm>>)
    %dma_wait3A_124 = arith.constant 3 : i32
    %dma_wait3A_125 = arith.constant 3 : i32
    %dma_wait3A_126 = arith.constant 0 : i32
    %dma_wait3A_127 = arith.constant 0 : i32
    %dma_wait3A_128 = tpu.memref_slice %arg6[%dma_wait3A_124, %dma_wait3A_126, %dma_wait3A_127] : memref<4x400x64xf32, #tpu.memory_space<vmem>> -> memref<1x400x64xf32, #tpu.memory_space<vmem>>
    %dma_wait3A_129 = tpu.memref_squeeze %dma_wait3A_128 : memref<1x400x64xf32, #tpu.memory_space<vmem>> -> memref<400x64xf32, #tpu.memory_space<vmem>>
    %dma_wait3A_130 = arith.constant 0 : i32
    %dma_wait3A_131 = arith.constant 0 : i32
    %dma_wait3A_132 = tpu.memref_slice %arg4[%dma_wait3A_130, %dma_wait3A_131] : memref<819200x128xf32, #tpu.memory_space<hbm>> -> memref<400x64xf32, #tpu.memory_space<hbm>>
    %dma_wait3A_133 = tpu.memref_slice %arg8[%dma_wait3A_125] : memref<4x!tpu.dma_semaphore, #tpu.memory_space<semaphore_mem>> -> memref<1x!tpu.dma_semaphore, #tpu.memory_space<semaphore_mem>>
    %dma_wait3A_134 = tpu.memref_squeeze %dma_wait3A_133 : memref<1x!tpu.dma_semaphore, #tpu.memory_space<semaphore_mem>> -> memref<!tpu.dma_semaphore, #tpu.memory_space<semaphore_mem>>
    %dma_wait3A_135 = arith.constant 0 : i32
    %dma_wait3A_136 = arith.constant 0 : i32
    %dma_wait3A_137 = tpu.memref_slice %arg4[%dma_wait3A_135, %dma_wait3A_136] : memref<819200x128xf32, #tpu.memory_space<hbm>> -> memref<400x64xf32, #tpu.memory_space<hbm>>
    %dma_wait3A_138 = arith.constant 0 : i32
    %dma_wait3A_139 = arith.constant 0 : i32
    %dma_wait3A_140 = tpu.memref_slice %arg6[%dma_wait3A_124, %dma_wait3A_138, %dma_wait3A_139] : memref<4x400x64xf32, #tpu.memory_space<vmem>> -> memref<1x400x64xf32, #tpu.memory_space<vmem>>
    %dma_wait3A_141 = tpu.memref_squeeze %dma_wait3A_140 : memref<1x400x64xf32, #tpu.memory_space<vmem>> -> memref<400x64xf32, #tpu.memory_space<vmem>>
    tpu.wait_dma2 semaphore(%dma_wait3A_134 : memref<!tpu.dma_semaphore, #tpu.memory_space<semaphore_mem>>) src(%dma_wait3A_141 : memref<400x64xf32, #tpu.memory_space<vmem>>) dst(%dma_wait3A_137 : memref<400x64xf32, #tpu.memory_space<hbm>>)
    return
  }
}

</mosaic_0001>

<sc_bundles>
// kernel: kernel.3.cloned.1.call-start
scs
__scs_entry_jumppad:
0x0: {  	(pc) =	sbr.rel $0x88, $3  }
0x1: {  	(tag) =	ssettag $0x0;
	lr =	simm.s32 $0x1  }
0x2: {  	[smem:$0x3F9F] =	sst lr;
	_ =	strace $0xD0000000  }
0x3: {  	_ = 	snop  }
0x4: {  	_ = 	snop  }
0x5: {  	_ = 	snop  }
0x6: {  	_ = 	snop  }
0x7: {  	_ = 	snop  }
__scs_overlays_trampoline_lowered:
0x8: {  	[smem:$0x3FAE] =	sst s0  }
0x9: {  	[smem:$0x3FAF] =	sst s1  }
0xa: {  	[smem:$0x3FB0] =	sst s2  }
0xb: {  	[smem:$0x3FB1] =	sst s3  }
0xc: {  	[smem:$0x3FB2] =	sst s4  }
0xd: {  	[smem:$0x3FB3] =	sst s5  }
0xe: {  	[smem:$0x3FB4] =	sst s6  }
0xf: {  	[smem:$0x3FB5] =	sst s7  }
0x10: {  	[smem:$0x3FB6] =	sst s8  }
0x11: {  	[smem:$0x3FB7] =	sst s9;
	s0 =	simm.s32 @!p0 $0x0  }
0x12: {  	s1 =	sld [smem:$0x3F9D];
	s0 =	simm.s32 @p0 $0x1  }
0x13: {  	[smem:$0x3FB8] =	sst s0;
	s0 =	simm.s32 @!p1 $0x0  }
0x14: {  	s2 =	sld [smem:$0x3F9C];
	s0 =	simm.s32 @p1 $0x1  }
0x15: {  	[smem:$0x3FB9] =	sst s0;
	s0 =	simm.s32 @!p2 $0x0  }
0x16: {  	s3 =	sld [smem:$0x3FDB];
	s0 =	simm.s32 @p2 $0x1  }
0x17: {  	s4 =	simm.s32 $0x1BF5;
	[smem:$0x3FBB] =	sst s0  }
0x18: {  	s0 =	sld [smem:$0x3F9E];
	_ =	swait.ge [sflag:s4], $0x0  }
0x19: {  	s7 =	sld [smem:$0x3F9F]  }
0x1a: {  	s8 =	sadd.s32 $0xFFFFE003, lr  }
0x1b: {  	s9 =	sadd.s32 $0xFFFFFEF7, lr;
	s5 =	simm.s32 $0xFFFFFFFF;
	p2 =	slt.u32 s8, $0xFFFFF086  }
0x1c: {  	p1 =	slt.u32 s9, $0xF7A;
	s5 =	simm.s32 @!p2 $0x0  }
0x1d: {  	s5 =	simm.s32 @p1 $0x1;
	p0 =	seq.s32 s7, s2  }
0x1e: {  	s7 =	smul.u32 @!p0 $0xF7A, s2;
	p2 =	seq.s32 @!p0 s5, $0x0  }
0x1f: {  	s9 =	smul.u32 $0xF7A, s1;
	s8 =	simm.s32 @!p0 $0x1BF5;
	p2 =	por !p2, p0  }
0x20: {  	[sflag:s8] =	ssyncset.s32 @!p0 $0xFFFFF086;
	s6 =	sadd.s32 @!p0 s3, s7;
	s7 =	simm.s32 @!p0 $0x108  }
0x21: {  	s3 =	sadd.s32 s3, s9;
	s6 =	sadd.s32 @!p0 $0x88, s6;
	s7 =	simm.s32 @p2 $0x1082  }
0x22: {  	[simem:s7], [sflag:s8] =	dma.local @!p0 [hbm:s6], $0xF7A  }
0x23: {  	s9 =	sor.u32 $0xD0000000, s2;
	s6 =	simm.s32 $0x108;
	_ =	swait.ge @!p0 [sflag:s8], $0x0  }
0x24: {  	s3 =	sadd.s32 $0x88, s3;
	s6 =	simm.s32 @!p1 $0x1082;
	[sflag:s4] =	ssyncset.s32 $0xFFFFF086  }
0x25: {  	[simem:s6], [sflag:s4] =	dma.local [hbm:s3], $0xF7A  }
0x26: {  	[smem:$0x3F9F] =	sst s1;
	(tag) =	ssettag s2;
	_ =	strace s9  }
0x27: {  	s1 =	sld [smem:$0x3FAF]  }
0x28: {  	s2 =	sld [smem:$0x3FB0]  }
0x29: {  	s4 =	sld [smem:$0x3FB2]  }
0x2a: {  	p0 =	seq.s32 s5, $0x0;
	s5 =	sld [smem:$0x3FB3]  }
0x2b: {  	s6 =	sld [smem:$0x3FB4]  }
0x2c: {  	s7 =	sld [smem:$0x3FB5]  }
0x2d: {  	s3 =	simm.s32 $0x108;
	s8 =	sld [smem:$0x3FB6]  }
0x2e: {  	s3 =	simm.s32 @!p0 $0x1082;
	s9 =	sld [smem:$0x3FB7]  }
0x2f: {  	lr =	sadd.s32 s0, s3;
	s0 =	sld [smem:$0x3FAE]  }
0x30: {  	s3 =	sld [smem:$0x3FB1]  }
0x31: {  	[smem:$0x3FBA] =	sst s10  }
0x32: {  	s10 =	sld [smem:$0x3FB8];
	_ =	sdelay $0x3  }
0x33: {  	p0 =	seq.s32 s10, $0x1;
	s10 =	sld [smem:$0x3FBA];
	_ =	sdelay $0x3  }
0x34: {  	[smem:$0x3FBA] =	sst s10  }
0x35: {  	s10 =	sld [smem:$0x3FB9];
	_ =	sdelay $0x3  }
0x36: {  	p1 =	seq.s32 s10, $0x1;
	s10 =	sld [smem:$0x3FBA];
	_ =	sdelay $0x3  }
0x37: {  	[smem:$0x3FBA] =	sst s10  }
0x38: {  	s10 =	sld [smem:$0x3FBB]  }
0x39: {  	_ = 	snop;
	(pc) =	sbr.ind lr, $3  }
0x3a: {  	_ = 	snop  }
0x3b: {  	_ = 	snop  }
0x3c: {  	p2 =	seq.s32 s10, $0x1;
	s10 =	sld [smem:$0x3FBA]  }
0x3d: {  	_ =	shalt  }
0x3e: {  	_ =	shalt  }
0x3f: {  	_ =	shalt  }
0x40: {  	_ =	shalt  }
0x41: {  	_ =	shalt  }
0x42: {  	_ =	shalt  }
0x43: {  	_ =	shalt  }
0x44: {  	_ =	shalt  }
0x45: {  	_ =	shalt  }
0x46: {  	_ =	shalt  }
0x47: {  	_ =	shalt  }
0x48: {  	_ =	shalt  }
0x49: {  	_ =	shalt  }
0x4a: {  	_ =	shalt  }
0x4b: {  	_ =	shalt  }
0x4c: {  	_ =	shalt  }
0x4d: {  	_ =	shalt  }
0x4e: {  	_ =	shalt  }
0x4f: {  	_ =	shalt  }
0x50: {  	_ =	shalt  }
0x51: {  	_ =	shalt  }
0x52: {  	_ =	shalt  }
0x53: {  	_ =	shalt  }
0x54: {  	_ =	shalt  }
0x55: {  	_ =	shalt  }
0x56: {  	_ =	shalt  }
0x57: {  	_ =	shalt  }
0x58: {  	_ =	shalt  }
0x59: {  	_ =	shalt  }
0x5a: {  	_ =	shalt  }
0x5b: {  	_ =	shalt  }
0x5c: {  	_ =	shalt  }
0x5d: {  	_ =	shalt  }
0x5e: {  	_ =	shalt  }
0x5f: {  	_ =	shalt  }
0x60: {  	_ =	shalt  }
0x61: {  	_ =	shalt  }
0x62: {  	_ =	shalt  }
0x63: {  	_ =	shalt  }
0x64: {  	_ =	shalt  }
0x65: {  	_ =	shalt  }
0x66: {  	_ =	shalt  }
0x67: {  	_ =	shalt  }
0x68: {  	_ =	shalt  }
0x69: {  	_ =	shalt  }
0x6a: {  	_ =	shalt  }
0x6b: {  	_ =	shalt  }
0x6c: {  	_ =	shalt  }
0x6d: {  	_ =	shalt  }
0x6e: {  	_ =	shalt  }
0x6f: {  	_ =	shalt  }
0x70: {  	_ =	shalt  }
0x71: {  	_ =	shalt  }
0x72: {  	_ =	shalt  }
0x73: {  	_ =	shalt  }
0x74: {  	_ =	shalt  }
0x75: {  	_ =	shalt  }
0x76: {  	_ =	shalt  }
0x77: {  	_ =	shalt  }
0x78: {  	_ =	shalt  }
0x79: {  	_ =	shalt  }
0x7a: {  	_ =	shalt  }
0x7b: {  	_ =	shalt  }
0x7c: {  	_ =	shalt  }
0x7d: {  	_ =	shalt  }
0x7e: {  	_ =	shalt  }
0x7f: {  	_ =	shalt  }
0x80: {  	_ =	shalt  }
0x81: {  	_ =	shalt  }
0x82: {  	_ =	shalt  }
0x83: {  	_ =	shalt  }
0x84: {  	_ =	shalt  }
0x85: {  	_ =	shalt  }
0x86: {  	_ =	shalt  }
0x87: {  	_ =	shalt  }
.Lfunc_end0:
.L_simem_size_0:
called_computation.1_lowered:
.L_overlay_start_0:
0x88: {  	s2 =	sld [smem:$0x3FD9]  }
0x89: {  	s3 =	sld [smem:$0x3FFE];
	_ =	sdelay $0x1  }
0x8a: {  	s1 =	srdreg.scid  }
0x8b: {  	s0 =	sand.u32 $0x1, s1  }
0x8c: {  	s17 =	sshll.u32 s0, $0xA;
	s2 =	sadd.s32 s3, s2  }
0x8d: {  	s2 =	sadd.s32 s2, s17  }
0x8e: {  	[smem:$0x3FC6] =	sst s2  }
0x8f: {  	_ = 	snop  }
0x90: {  	s2 =	sld [smem:$0x3FD0];
	(tm) =	ssettm $0x1  }
0x91: {  	s18 =	sld [smem:$0x3FFB];
	_ =	sdelay $0x3  }
0x92: {  	_ =	strace s18  }
0x93: {  	s3 =	sld [smem:$0x3FFC];
	_ =	sdelay $0x3  }
0x94: {  	_ =	strace s3  }
0x95: {  	s3 =	sld [smem:$0x3FFD];
	_ =	sdelay $0x3  }
0x96: {  	_ =	strace s3  }
0x97: {  	_ =	strace $0x8FFFFFFF  }
0x98: {  	s19 =	sld [smem:$0x3FDB];
	_ =	sdelay $0x1  }
0x99: {  	s4 =	simm.s32 $_scs_section_size  }
0x9a: {  	s5 =	simm.s32 $_size__tile_overlayer_lowered;
	s6 =	simm.s32 $_tile_overlayer_lowered  }
0x9b: {  	s22 =	simm.s32 $0x1BFF;
	s21 =	sshll.u32 s6, $0x1;
	s3 =	sadd.s32 s4, s19  }
0x9c: {  	s7 =	simm.s32 $0x0;
	s20 =	sshll.u32 s5, $0x1;
	s5 =	sadd.s32 s21, s3  }
0x9d: {  	[timem:s7], [sflag:s22] =	dma.local [hbm:s5], s20  }
0x9e: {  	_ =	swait.ge [sflag:s22], s20  }
0x9f: {  	s4 =	ssub.s32 $0x0, s20;
	[sflag:s22] =	ssyncset.done $0x0  }
0xa0: {  	[sflag:s22] =	ssyncadd.s32 s4;
	_ =	sdelay $0x1  }
0xa1: {  	s23 =	simm.s32 $0x1B8B  }
0xa2: {  	_ =	swait.ge [sflag:s23], $0x1  }
0xa3: {  	[sflag:s23] =	ssyncset.done $0x0  }
0xa4: {  	s25 =	simm.s32 $0x1B8E;
	s24 =	sld [smem:$0x3FFE];
	[sflag:s23] =	ssyncadd.s32 $0xFFFFFFFF  }
0xa5: {  	s26 =	simm.s32 $execute0_lowered;
	[smem:$0x3FD2] =	sst s25  }
0xa6: {  	s5 =	sshll.u32 s26, $0x1;
	_ =	strace $0x80000046;
	[dreg:$0x1] =	wrdreg $0xFFFFFFFF  }
0xa7: {  	s28 =	simm.s32 $_size_execute0_lowered;
	s3 =	sadd.s32 s3, s5;
	[dreg:$0x0] =	wrdreg $0x0  }
0xa8: {  	s5 =	sshll.u32 s28, $0x1;
	[dreg:$0x2] =	wrdreg s3  }
0xa9: {  	[dreg:$0x3] =	wrdreg s5  }
0xaa: {  	[dreg:$0x4] =	wrdreg $0xC0  }
0xab: {  	_ =	task [dreg:s7], $0x5FFFF  }
0xac: {  	[dreg:$0x1] =	wrdreg $0xFFFFFFFF  }
0xad: {  	[dreg:$0x0] =	wrdreg $0x60  }
0xae: {  	[dreg:$0x2] =	wrdreg s2  }
0xaf: {  	[dreg:$0x3] =	wrdreg s24  }
0xb0: {  	[dreg:$0x4] =	wrdreg $0x9  }
0xb1: {  	_ =	task.clear_ibuf [dreg:s7], $0x5FFFF;
	_ =	strace $0x90000046  }
0xb2: {  	s29 =	simm.s32 $0x9;
	_ =	strace $0x80000048  }
0xb3: {  	_ =	swait.ge [sflag:s29], $0x1  }
0xb4: {  	[sflag:s29] =	ssyncadd.s32 $0xFFFFFFFF  }
0xb5: {  	_ =	strace $0x90000048  }
0xb6: {  	_ =	sfence  }
0xb7: {  	s30 =	sld [smem:$0x0];
	_ =	sdelay $0x2  }
0xb8: {  	s31 =	sshll.u32 s1, $0xD;
	s1 =	sshrl.u32 s1, $0x2  }
0xb9: {  	s3 =	sand.u32 $0x4000, s31;
	s1 =	sadd.s32 s1, s30  }
0xba: {  	s0 =	sor.u32 s3, s0;
	s1 =	sshll.u32 s1, $0x11  }
0xbb: {  	s0 =	sor.u32 s1, s0  }
0xbc: {  	s0 =	sadd.s32 $0x8F2B, s0  }
0xbd: {  	[sflag:s0] =	ssyncadd.remote.s32 $0x1  }
0xbe: {  	_ =	sfence.sel $0xFFFF  }
0xbf: {  	[dreg:$0x0] =	wrdreg $0xFFFFFFFF;
	(pc) =	sbr.abs _section_cstart, $3  }
0xc0: {  	[dreg:$0x1] =	wrdreg $0xFFFFFFFF  }
0xc1: {  	_ =	task.clear_ibuf [dreg:s7], $0x2FFFF;
	_ =	strace $0x9FFFFFFF  }
0xc2: {  	(tm) =	ssettm $0x7FFFFFFF  }
0xc3: {  	_ =	shalt  }
tec
execute0_lowered:
.L_overlay_start_1:
0x0: {  	(tag) =	ssettag $0x1  }
0x1: {  	s0 =	rddreg [dreg:$0x0]  }
0x2: {  	s1 =	rddreg [dreg:$0x1];
	s3 =	simm.s32 $0x0  }
0x3: {  	s2 =	srdreg.scid;
	s8 =	stileid.u32;
	s12 =	simm.s32 $0x190  }
0x4: {  	s13 =	simm.s32 $0x12C00;
	s14 =	simm.s32 $0x1;
	s15 =	simm.s32 $0x40  }
0x5: {  	s16 =	simm.s32 $0x80;
	s30 =	simm.s32 $0x6400;
	s17 =	simm.s32 $0x19000  }
0x6: {  	s31 =	simm.s32 $0xC800;
	s18 =	simm.s32 $0x2;
	[smem:$0x7FF] =	sst s3  }
0x7: {  	s2 =	sand.u32 $0x1, s2;
	s21 =	sshll.u32 s8, $0x1;
	s3 =	sadd.s32 $0xF42E00, s1  }
0x8: {  	s4 =	sadd.s32 $0xA00, s1;
	s24 =	smul.u32 $0xC8000, s8;
	s5 =	sor.u32 s2, s21  }
0x9: {  	_ =	strace $0x80000047;
	s6 =	ssub.s32 $0x2, s2;
	s7 =	smul.u32 $0x320000, s5  }
0xa: {  	[dreg:$0x3] =	wrdreg s30;
	s22 =	sshrl.u32 s6, $0x1;
	s5 =	smul.u32 $0x6400, s5  }
0xb: {  	s2 =	smul.u32 $0x64000, s2;
	[dreg:$0x4] =	wrdreg s31;
	s1 =	ssub.s32 s6, s22  }
0xc: {  	s23 =	sshrl.u32 s7, $0x3;
	s25 =	sshrl.u32 s5, $0x3;
	s29 =	smax.u32 s1, $0x1  }
0xd: {  	s6 =	sadd.s32 s4, s23;
	s0 =	sadd.s32 s0, s25;
	[dreg:$0x8] =	wrdreg s29  }
0xe: {  	s10 =	sadd.s32 s2, s24;
	[dreg:$0x5] =	wrdreg s0;
	s26 =	sadd.s32 $0x60E00, s6  }
0xf: {  	s24 =	simm.s32 $0x8;
	s28 =	sadd.s32 $0x62700, s6;
	[dreg:$0x6] =	wrdreg s26  }
0x10: {  	s23 =	simm.s32 $0x7;
	s25 =	simm.s32 $0x0;
	[dreg:$0x7] =	wrdreg s28  }
.LBB2_1:
0x11: {  	s0 =	simm.s32 $0x0;
	s1 =	rddreg [dreg:$0x5];
	s21 =	simm.s32 $0x9  }
0x12: {  	p1 =	por $0x0, $0x0;
	s6 =	simm.s32 $0x0;
	s29 =	sadd.s32 $0x6400, s10  }
0x13: {  	[tilespmem:s0], [sflag:$0x9] =	stream.linear.gather [hbm4b:s1+s0], $0x6400, $0x38;
	[tilespmem:$0x1F400] =	vst v63  }
0x14: {  	s11 =	simm.s32 $0x320;
	s30 =	simm.s32 $0x3200;
	_ =	swait.ge [sflag:s21], $0x6400  }
0x15: {  	s0 =	sadd.s32 @p1 $0x1FFFCE00, s10;
	p0 =	por p1, p1;
	[sflag:s21] =	ssyncset.done $0x0  }
0x16: {  	s1 =	sadd.s32 @p1 $0x1FFFE700, s10;
	s2 =	simm.s32 @p0 $0x5;
	[sflag:s21] =	ssyncadd.s32 $0xFFFF9C00  }
0x17: {  	s6 =	simm.s32 @!p1 $0x0;
	s0 =	sand.u32 @p1 $0x1FFFFE00, s0;
	_ =	swait.ge @p0 [sflag:s2], $0x6400  }
0x18: {  	s7 =	simm.s32 @p0 $0x6400;
	s8 =	simm.s32 @p0 $0x3;
	[sflag:s2] =	ssyncset.done @p0 $0x0  }
0x19: {  	s9 =	simm.s32 @p0 $0x190;
	[sflag:s2] =	ssyncadd.s32 @p0 $0xFFFF9C00;
	s2 =	simm.s32 @p0 $0x0  }
0x1a: {  	[tilespmem:s7], [sflag:$0x1] =	stream.indirect.gather @p0 [hbm4b:s3+s9], $0x40, s2, s9, $0xb8;
	[tilespmem:$0x1F400] =	vst v63  }
0x1b: {  	s1 =	sand.u32 @p1 $0x1FFFFF00, s1;
	s26 =	simm.s32 @p0 $0x80;
	_ =	swait.ge @p0 [sflag:s8], $0x6400  }
0x1c: {  	s0 =	sadd.s32 @p1 s4, s0;
	s2 =	simm.s32 @p0 $0x6;
	[sflag:s8] =	ssyncset.done @p0 $0x0  }
0x1d: {  	s7 =	simm.s32 @p0 $0x12C00;
	[sflag:s8] =	ssyncadd.s32 @p0 $0xFFFF9C00;
	s8 =	simm.s32 @p0 $0x40  }
0x1e: {  	[hbm4b:s0+s8] =	stream.strided.scatter @p0 [tilespmem:s7], [sflag:$0x7], $0x6400, s26, s8, $0x38;
	[tilespmem:$0x1F400] =	vst v63  }
0x1f: {  	s22 =	sadd.s32 s5, s6;
	s6 =	simm.s32 @p1 $0x190;
	_ =	swait.ge @p0 [sflag:s2], $0x6400  }
0x20: {  	s28 =	simm.s32 @p0 $0x4;
	s1 =	sadd.s32 @p1 s4, s1;
	[sflag:s2] =	ssyncset.done @p0 $0x0  }
0x21: {  	s7 =	simm.s32 @p0 $0x190;
	[sflag:s2] =	ssyncadd.s32 @p0 $0xFFFF9C00;
	s2 =	simm.s32 @p0 $0xC800  }
0x22: {  	[tilespmem:s2], [sflag:$0x2] =	stream.indirect.gather @p0 [hbm4b:s3+s9], $0x40, s7, s9, $0xb8;
	[tilespmem:$0x1F400] =	vst v63  }
0x23: {  	s6 =	simm.s32 @!p1 $0x190;
	p1 =	por $0x1, $0x1;
	_ =	swait.ge @p0 [sflag:s28], $0x6400  }
0x24: {  	s0 =	sshll.u32 s22, $0x4;
	s9 =	sadd.s32 s5, s6;
	[sflag:s28] =	ssyncset.done @p0 $0x0  }
0x25: {  	s6 =	simm.s32 @p0 $0x19000;
	s7 =	simm.s32 @p0 $0x7;
	[sflag:s28] =	ssyncadd.s32 @p0 $0xFFFF9C00  }
0x26: {  	[hbm4b:s1+s8] =	stream.strided.scatter @p0 [tilespmem:s6], [sflag:$0x8], $0x6400, s26, s8, $0x38;
	[tilespmem:$0x1F400] =	vst v63  }
0x27: {  	s22 =	simm.s32 $0x4B0;
	s0 =	sand.u32 $0x1FFFFC00, s0;
	_ =	swait.ge @p0 [sflag:s7], $0x6400  }
0x28: {  	s2 =	sshll.u32 s9, $0x4;
	s1 =	simm.s32 @!p0 $0x6400;
	[sflag:s7] =	ssyncset.done @p0 $0x0  }
0x29: {  	s6 =	simm.s32 @!p0 $0x190;
	[sflag:s7] =	ssyncadd.s32 @p0 $0xFFFF9C00;
	s7 =	simm.s32 @!p0 $0x0  }
0x2a: {  	[tilespmem:s1], [sflag:$0x1] =	stream.indirect.gather @!p0 [hbm4b:s3+s6], $0x40, s7, s6, $0xb8;
	[tilespmem:$0x1F400] =	vst v63  }
0x2b: {  	s0 =	sadd.s32 s4, s0;
	s2 =	sand.u32 $0x1FFFFD00, s2;
	s1 =	sadd.s32 @p1 $0x1FFFCE00, s29  }
0x2c: {  	s9 =	sadd.s32 s4, s2;
	s7 =	simm.s32 @!p0 $0xC800;
	s1 =	sand.u32 @p1 $0x1FFFFE00, s1  }
0x2d: {  	[tilespmem:s7], [sflag:$0x2] =	stream.indirect.gather @!p0 [hbm4b:s3+s6], $0x40, s6, s6, $0xb8;
	[tilespmem:$0x1F400] =	vst v63  }
0x2e: {  	s26 =	simm.s32 $0x1900;
	s6 =	simm.s32 $0x640;
	s1 =	sadd.s32 @p1 s4, s1  }
0x2f: {  	[tilespmem:s13], [sflag:$0x3] =	stream.indirect.gather [hbm4b:s3+s12], $0x40, s11, s12, $0xb8;
	[tilespmem:$0x1F400] =	vst v63  }
0x30: {  	s7 =	sadd.s32 @p1 $0x1FFFE700, s29;
	p0 =	por $0x1, $0x1;
	_ =	swait.ge [sflag:s14], $0x6400  }
0x31: {  	s7 =	sand.u32 @p1 $0x1FFFFF00, s7;
	s6 =	simm.s32 @!p1 $0x0;
	[sflag:s14] =	ssyncset.done $0x0  }
0x32: {  	s8 =	simm.s32 @!p0 $0x8;
	s19 =	rddreg [dreg:$0x3];
	[sflag:s14] =	ssyncadd.s32 $0xFFFF9C00  }
0x33: {  	[hbm4b:s0+s15] =	stream.strided.scatter [tilespmem:s19], [sflag:$0x5], $0x6400, s16, s15, $0x38;
	[tilespmem:$0x1F400] =	vst v63  }
0x34: {  	s20 =	sadd.s32 s5, s6;
	s6 =	simm.s32 @p1 $0x7D0;
	_ =	swait.ge @!p0 [sflag:s8], $0x6400  }
0x35: {  	s31 =	sadd.s32 @p1 s4, s7;
	s6 =	simm.s32 @!p1 $0x190;
	[sflag:s8] =	ssyncset.done @!p0 $0x0  }
0x36: {  	s21 =	sadd.s32 s5, s6;
	s0 =	sshll.u32 s20, $0x4;
	[sflag:s8] =	ssyncadd.s32 @!p0 $0xFFFF9C00  }
0x37: {  	[tilespmem:s17], [sflag:$0x4] =	stream.indirect.gather [hbm4b:s3+s12], $0x40, s22, s12, $0xb8;
	[tilespmem:$0x1F400] =	vst v63  }
0x38: {  	s28 =	sand.u32 $0x1FFFFC00, s0;
	s0 =	sshll.u32 s21, $0x4;
	_ =	swait.ge [sflag:s18], $0x6400  }
0x39: {  	s6 =	sand.u32 $0x1FFFFD00, s0;
	s0 =	simm.s32 $0xC80;
	[sflag:s18] =	ssyncset.done $0x0  }
0x3a: {  	p0 =	por p1, p1;
	s8 =	rddreg [dreg:$0x4];
	[sflag:s18] =	ssyncadd.s32 $0xFFFF9C00  }
.LBB2_2:
0x3b: {  	p1 =	sne.s32 s30, $0x0  }
0x3c: {  	s11 =	simm.s32 @p0 $0x5;
	s29 =	sadd.s32 $0x6400, s29;
	s2 =	smov.u32 s6  }
0x3d: {  	[hbm4b:s9+s15] =	stream.strided.scatter [tilespmem:s8], [sflag:$0x6], $0x6400, s16, s15, $0x38;
	[tilespmem:$0x1F400] =	vst v63  }
0x3e: {  	s8 =	simm.s32 @p0 $0x6;
	s9 =	simm.s32 @p0 $0x6400;
	_ =	swait.ge @p0 [sflag:s11], $0x6400  }
0x3f: {  	s19 =	simm.s32 @p0 $0x3;
	s20 =	simm.s32 @p0 $0x190;
	[sflag:s11] =	ssyncset.done @p0 $0x0  }
0x40: {  	s21 =	simm.s32 @p0 $0x80;
	[sflag:s11] =	ssyncadd.s32 @p0 $0xFFFF9C00;
	s11 =	sshra.s32 @p0 s26, $0x2  }
0x41: {  	[tilespmem:s9], [sflag:$0x1] =	stream.indirect.gather @p0 [hbm4b:s3+s20], $0x40, s11, s20, $0xb8;
	[tilespmem:$0x1F400] =	vst v63  }
0x42: {  	s22 =	simm.s32 @p0 $0x4;
	s6 =	sadd.s32 @p1 $0x1FFFCE00, s29;
	_ =	swait.ge @p0 [sflag:s19], $0x6400  }
0x43: {  	s6 =	sand.u32 @p1 $0x1FFFFE00, s6;
	s9 =	sadd.s32 @p0 $0x190, s11;
	[sflag:s19] =	ssyncset.done @p0 $0x0  }
0x44: {  	s11 =	simm.s32 @p0 $0x12C00;
	[sflag:s19] =	ssyncadd.s32 @p0 $0xFFFF9C00;
	s19 =	simm.s32 @p0 $0x40  }
0x45: {  	[hbm4b:s1+s19] =	stream.strided.scatter @p0 [tilespmem:s11], [sflag:$0x7], $0x6400, s21, s19, $0x38;
	[tilespmem:$0x1F400] =	vst v63  }
0x46: {  	s6 =	sadd.s32 @p1 s4, s6;
	s1 =	sadd.s32 @p1 $0x1FFFE700, s29;
	_ =	swait.ge @p0 [sflag:s8], $0x6400  }
0x47: {  	s11 =	smov.u32 s0;
	s1 =	sand.u32 @p1 $0x1FFFFF00, s1;
	[sflag:s8] =	ssyncset.done @p0 $0x0  }
0x48: {  	s11 =	simm.s32 @!p1 $0x0;
	[sflag:s8] =	ssyncadd.s32 @p0 $0xFFFF9C00;
	s8 =	simm.s32 @p0 $0xC800  }
0x49: {  	[tilespmem:s8], [sflag:$0x2] =	stream.indirect.gather @p0 [hbm4b:s3+s20], $0x40, s9, s20, $0xb8;
	[tilespmem:$0x1F400] =	vst v63  }
0x4a: {  	s8 =	sadd.s32 @p1 s4, s1;
	s20 =	sadd.s32 s5, s11;
	_ =	swait.ge @p0 [sflag:s22], $0x6400  }
0x4b: {  	s9 =	simm.s32 @p0 $0x19000;
	s11 =	simm.s32 @p0 $0x7;
	[sflag:s22] =	ssyncset.done @p0 $0x0  }
0x4c: {  	s1 =	sshll.u32 s20, $0x4;
	s20 =	simm.s32 @!p0 $0x0;
	[sflag:s22] =	ssyncadd.s32 @p0 $0xFFFF9C00  }
0x4d: {  	[hbm4b:s31+s19] =	stream.strided.scatter @p0 [tilespmem:s9], [sflag:$0x8], $0x6400, s21, s19, $0x38;
	[tilespmem:$0x1F400] =	vst v63  }
0x4e: {  	s9 =	sadd.s32 @p1 $0x190, s0;
	s19 =	sand.u32 $0x1FFFFC00, s1;
	_ =	swait.ge @p0 [sflag:s11], $0x6400  }
0x4f: {  	s1 =	simm.s32 @!p0 $0x6400;
	s31 =	smov.u32 s8;
	[sflag:s11] =	ssyncset.done @p0 $0x0  }
0x50: {  	s9 =	simm.s32 @!p1 $0x190;
	[sflag:s11] =	ssyncadd.s32 @p0 $0xFFFF9C00;
	s11 =	simm.s32 @!p0 $0x190  }
0x51: {  	[tilespmem:s1], [sflag:$0x1] =	stream.indirect.gather @!p0 [hbm4b:s3+s11], $0x40, s20, s11, $0xb8;
	[tilespmem:$0x1F400] =	vst v63  }
0x52: {  	s22 =	sadd.s32 s5, s9;
	s9 =	simm.s32 @!p0 $0xC800;
	s20 =	sshra.s32 s26, $0x2  }
0x53: {  	[tilespmem:s9], [sflag:$0x2] =	stream.indirect.gather @!p0 [hbm4b:s3+s11], $0x40, s11, s11, $0xb8;
	[tilespmem:$0x1F400] =	vst v63  }
0x54: {  	s21 =	sshll.u32 s22, $0x4;
	s1 =	smov.u32 s6;
	s22 =	sadd.s32 $0x320, s20  }
0x55: {  	[tilespmem:s13], [sflag:$0x3] =	stream.indirect.gather [hbm4b:s3+s12], $0x40, s22, s12, $0xb8;
	[tilespmem:$0x1F400] =	vst v63  }
0x56: {  	s6 =	sand.u32 $0x1FFFFD00, s21;
	s21 =	sadd.s32 s4, s28;
	_ =	swait.ge [sflag:s14], $0x6400  }
0x57: {  	p0 =	por p1, p1;
	p1 =	seq.s32 s26, $0x0;
	[sflag:s14] =	ssyncset.done $0x0  }
0x58: {  	s8 =	simm.s32 @!p1 $0x8;
	s11 =	rddreg [dreg:$0x3];
	[sflag:s14] =	ssyncadd.s32 $0xFFFF9C00  }
0x59: {  	[hbm4b:s21+s15] =	stream.strided.scatter [tilespmem:s11], [sflag:$0x5], $0x6400, s16, s15, $0x38;
	[tilespmem:$0x1F400] =	vst v63  }
0x5a: {  	s7 =	smov.u32 s30;
	s30 =	sadd.s32 $0x1900, s30;
	_ =	swait.ge @!p1 [sflag:s8], $0x6400  }
0x5b: {  	p2 =	sne.s32 s30, $0x19000;
	[sflag:s8] =	ssyncset.done @!p1 $0x0  }
.Ltmp0:
0x5c: {  	s22 =	sadd.s32 $0x4B0, s20;
	[sflag:s8] =	ssyncadd.s32 @!p1 $0xFFFF9C00;
	(pc) =	sbr.rel @p2 .LBB2_2-.Ltmp0, $4  }
0x5d: {  	[tilespmem:s17], [sflag:$0x4] =	stream.indirect.gather [hbm4b:s3+s12], $0x40, s22, s12, $0xb8;
	[tilespmem:$0x1F400] =	vst v63  }
0x5e: {  	s0 =	sadd.s32 $0x640, s0;
	_ =	swait.ge [sflag:s18], $0x6400  }
0x5f: {  	s28 =	smov.u32 s19;
	s26 =	smov.u32 s7;
	[sflag:s18] =	ssyncset.done $0x0  }
0x60: {  	s9 =	sadd.s32 s4, s2;
	s8 =	rddreg [dreg:$0x4];
	[sflag:s18] =	ssyncadd.s32 $0xFFFF9C00  }
0x61: {  	s0 =	simm.s32 @p0 $0x5  }
0x62: {  	[hbm4b:s9+s15] =	stream.strided.scatter [tilespmem:s8], [sflag:$0x6], $0x6400, s16, s15, $0x38;
	[tilespmem:$0x1F400] =	vst v63  }
0x63: {  	_ =	swait.ge @p0 [sflag:s0], $0x6400  }
0x64: {  	s2 =	simm.s32 @p0 $0x6400;
	s7 =	simm.s32 @p0 $0x3;
	[sflag:s0] =	ssyncset.done @p0 $0x0  }
0x65: {  	s8 =	simm.s32 @p0 $0x190;
	[sflag:s0] =	ssyncadd.s32 @p0 $0xFFFF9C00;
	s0 =	sshra.s32 @p0 s26, $0x2  }
0x66: {  	[tilespmem:s2], [sflag:$0x1] =	stream.indirect.gather @p0 [hbm4b:s3+s8], $0x40, s0, s8, $0xb8;
	[tilespmem:$0x1F400] =	vst v63  }
0x67: {  	_ =	swait.ge @p0 [sflag:s7], $0x6400  }
0x68: {  	s9 =	simm.s32 @p0 $0x80;
	[sflag:s7] =	ssyncset.done @p0 $0x0  }
0x69: {  	s2 =	simm.s32 @p0 $0x12C00;
	[sflag:s7] =	ssyncadd.s32 @p0 $0xFFFF9C00;
	s7 =	simm.s32 @p0 $0x40  }
0x6a: {  	[hbm4b:s1+s7] =	stream.strided.scatter @p0 [tilespmem:s2], [sflag:$0x7], $0x6400, s9, s7, $0x38;
	[tilespmem:$0x1F400] =	vst v63  }
0x6b: {  	s1 =	simm.s32 @p0 $0x6  }
0x6c: {  	_ =	swait.ge @p0 [sflag:s1], $0x6400  }
0x6d: {  	[sflag:s1] =	ssyncset.done @p0 $0x0  }
0x6e: {  	s0 =	sadd.s32 @p0 $0x190, s0;
	[sflag:s1] =	ssyncadd.s32 @p0 $0xFFFF9C00;
	s1 =	simm.s32 @p0 $0xC800  }
0x6f: {  	[tilespmem:s1], [sflag:$0x2] =	stream.indirect.gather @p0 [hbm4b:s3+s8], $0x40, s0, s8, $0xb8;
	[tilespmem:$0x1F400] =	vst v63  }
0x70: {  	s0 =	simm.s32 @p0 $0x4  }
0x71: {  	_ =	swait.ge @p0 [sflag:s0], $0x6400  }
0x72: {  	[sflag:s0] =	ssyncset.done @p0 $0x0  }
0x73: {  	[sflag:s0] =	ssyncadd.s32 @p0 $0xFFFF9C00;
	s0 =	simm.s32 @p0 $0x19000  }
0x74: {  	[hbm4b:s31+s7] =	stream.strided.scatter @p0 [tilespmem:s0], [sflag:$0x8], $0x6400, s9, s7, $0x38;
	[tilespmem:$0x1F400] =	vst v63  }
0x75: {  	s0 =	simm.s32 @p0 $0x7  }
0x76: {  	_ =	swait.ge @p0 [sflag:s0], $0x6400  }
0x77: {  	s2 =	simm.s32 @!p0 $0x0;
	[sflag:s0] =	ssyncset.done @p0 $0x0  }
0x78: {  	s1 =	simm.s32 @!p0 $0x6400;
	[sflag:s0] =	ssyncadd.s32 @p0 $0xFFFF9C00;
	s0 =	simm.s32 @!p0 $0x190  }
0x79: {  	[tilespmem:s1], [sflag:$0x1] =	stream.indirect.gather @!p0 [hbm4b:s3+s0], $0x40, s2, s0, $0xb8;
	[tilespmem:$0x1F400] =	vst v63  }
0x7a: {  	s7 =	sshra.s32 s26, $0x2;
	s1 =	simm.s32 @!p0 $0xC800  }
0x7b: {  	[tilespmem:s1], [sflag:$0x2] =	stream.indirect.gather @!p0 [hbm4b:s3+s0], $0x40, s0, s0, $0xb8;
	[tilespmem:$0x1F400] =	vst v63  }
0x7c: {  	s8 =	sadd.s32 $0x320, s7  }
0x7d: {  	[tilespmem:s13], [sflag:$0x3] =	stream.indirect.gather [hbm4b:s3+s12], $0x40, s8, s12, $0xb8;
	[tilespmem:$0x1F400] =	vst v63  }
0x7e: {  	_ =	swait.ge [sflag:s14], $0x6400  }
0x7f: {  	s11 =	sadd.s32 s4, s28;
	p0 =	seq.s32 s26, $0x0;
	[sflag:s14] =	ssyncset.done $0x0  }
0x80: {  	s1 =	simm.s32 @!p0 $0x8;
	s9 =	rddreg [dreg:$0x3];
	[sflag:s14] =	ssyncadd.s32 $0xFFFF9C00  }
0x81: {  	[hbm4b:s11+s15] =	stream.strided.scatter [tilespmem:s9], [sflag:$0x5], $0x6400, s16, s15, $0x38;
	[tilespmem:$0x1F400] =	vst v63  }
0x82: {  	_ =	swait.ge @!p0 [sflag:s1], $0x6400  }
0x83: {  	[sflag:s1] =	ssyncset.done @!p0 $0x0  }
0x84: {  	s0 =	sadd.s32 $0x4B0, s7;
	[sflag:s1] =	ssyncadd.s32 @!p0 $0xFFFF9C00  }
0x85: {  	[tilespmem:s17], [sflag:$0x4] =	stream.indirect.gather [hbm4b:s3+s12], $0x40, s0, s12, $0xb8;
	[tilespmem:$0x1F400] =	vst v63  }
0x86: {  	_ =	swait.ge [sflag:s18], $0x6400  }
0x87: {  	s20 =	sadd.s32 s4, s6;
	[sflag:s18] =	ssyncset.done $0x0  }
0x88: {  	s21 =	simm.s32 $0x3;
	s19 =	rddreg [dreg:$0x4];
	[sflag:s18] =	ssyncadd.s32 $0xFFFF9C00  }
0x89: {  	[hbm4b:s20+s15] =	stream.strided.scatter [tilespmem:s19], [sflag:$0x6], $0x6400, s16, s15, $0x38;
	[tilespmem:$0x1F400] =	vst v63  }
0x8a: {  	_ =	swait.ge [sflag:s21], $0x6400  }
0x8b: {  	[sflag:s21] =	ssyncset.done $0x0  }
0x8c: {  	s26 =	simm.s32 $0x4;
	s22 =	rddreg [dreg:$0x6];
	[sflag:s21] =	ssyncadd.s32 $0xFFFF9C00  }
0x8d: {  	[hbm4b:s22+s15] =	stream.strided.scatter [tilespmem:s13], [sflag:$0x7], $0x6400, s16, s15, $0x38;
	[tilespmem:$0x1F400] =	vst v63  }
0x8e: {  	_ =	swait.ge [sflag:s26], $0x6400  }
0x8f: {  	[sflag:s26] =	ssyncset.done $0x0  }
0x90: {  	s29 =	simm.s32 $0x5;
	s28 =	rddreg [dreg:$0x7];
	[sflag:s26] =	ssyncadd.s32 $0xFFFF9C00  }
0x91: {  	[hbm4b:s28+s15] =	stream.strided.scatter [tilespmem:s17], [sflag:$0x8], $0x6400, s16, s15, $0x38;
	[tilespmem:$0x1F400] =	vst v63  }
0x92: {  	_ =	swait.ge [sflag:s29], $0x6400  }
0x93: {  	[sflag:s29] =	ssyncset.done $0x0  }
0x94: {  	s30 =	simm.s32 $0x6;
	[sflag:s29] =	ssyncadd.s32 $0xFFFF9C00  }
0x95: {  	_ =	swait.ge [sflag:s30], $0x6400  }
0x96: {  	[sflag:s30] =	ssyncset.done $0x0  }
0x97: {  	[sflag:s30] =	ssyncadd.s32 $0xFFFF9C00  }
0x98: {  	_ =	swait.ge [sflag:s23], $0x6400  }
0x99: {  	[sflag:s23] =	ssyncset.done $0x0  }
0x9a: {  	[sflag:s23] =	ssyncadd.s32 $0xFFFF9C00  }
0x9b: {  	_ =	swait.ge [sflag:s24], $0x6400  }
0x9c: {  	s25 =	sadd.s32 $0x1, s25;
	s31 =	rddreg [dreg:$0x8]  }
0x9d: {  	p0 =	sne.s32 s25, s31  }
.Ltmp1:
0x9e: {  	_ = 	snop;
	(pc) =	sbr.rel @p0 .LBB2_1-.Ltmp1, $3  }
0x9f: {  	_ =	sdelay $0x1  }
0xa0: {  	[sflag:s24] =	ssyncset.done $0x0  }
0xa1: {  	[sflag:s24] =	ssyncadd.s32 $0xFFFF9C00  }
0xa2: {  	_ =	sfence.sel $0x180000  }
0xa3: {  	[bflag:$0x0] =	sbarrier.arrive $0xFFFF  }
0xa4: {  	_ =	strace $0x90000047  }
0xa5: {  	s0 =	stileid.u32;
	[bflag:$0x2] =	sbarrier.arrive $0xFFFF  }
0xa6: {  	p0 =	sne.s32 s0, $0x0;
	s0 =	rddreg [dreg:$0x2]  }
0xa7: {  	s0 =	sadd.s32 @!p0 $0x100000, s0  }
0xa8: {  	[sflag:s0] =	ssyncadd.tile.s32 @!p0 $0x1;
	_ =	shalt  }
.Lfunc_end2:
_tile_overlayer_lowered:
.L_overlay_start_2:
0xa9: {  	(tag) =	ssettag $0x2  }
0xaa: {  	s0 =	rddreg [dreg:$0x0];
	s2 =	stileid.u32  }
0xab: {  	s1 =	rddreg [dreg:$0x1];
	p0 =	sne.s32 s2, $0x0  }
0xac: {  	s3 =	rddreg [dreg:$0x2];
	[bflag:$0x3] =	sbarrier.arrive $0xFFFF;
	s2 =	simm.s32 @!p0 $0x1C09  }
0xad: {  	[timem:s3], [sflag:s2] =	dma.local @!p0 [hbm:s0], s1  }
0xae: {  	s0 =	simm.s32 @!p0 $0x9  }
0xaf: {  	_ =	swait.ge @!p0 [sflag:s0], s1  }
0xb0: {  	s1 =	ssub.s32 @!p0 $0x0, s1;
	[sflag:s0] =	ssyncset.done @!p0 $0x0  }
0xb1: {  	[sflag:s0] =	ssyncadd.s32 @!p0 s1  }
0xb2: {  	[bflag:$0x3] =	sbarrier.arrive $0xFFFF  }
0xb3: {  	_ =	shalt  }

// kernel: sparse-core-data-format-call.cloned.1.call-start
scs
called_computation_lowered:
.L_overlay_start_0:
0x0: {  	s2 =	sld [smem:$0x3FD9]  }
0x1: {  	s3 =	sld [smem:$0x3FFE];
	_ =	sdelay $0x1  }
0x2: {  	s1 =	srdreg.scid  }
0x3: {  	s0 =	sand.u32 $0x1, s1  }
0x4: {  	s18 =	sshll.u32 s0, $0xA;
	s2 =	sadd.s32 s3, s2  }
0x5: {  	s2 =	sadd.s32 s2, s18  }
0x6: {  	[smem:$0x3FC6] =	sst s2  }
0x7: {  	_ = 	snop  }
0x8: {  	s2 =	sld [smem:$0x3FD0];
	(tm) =	ssettm $0x1  }
0x9: {  	s19 =	sld [smem:$0x3FFB];
	_ =	sdelay $0x3  }
0xa: {  	_ =	strace s19  }
0xb: {  	s3 =	sld [smem:$0x3FFC];
	_ =	sdelay $0x3  }
0xc: {  	_ =	strace s3  }
0xd: {  	s3 =	sld [smem:$0x3FFD];
	_ =	sdelay $0x3  }
0xe: {  	_ =	strace s3  }
0xf: {  	_ =	strace $0x8FFFFFFF  }
0x10: {  	s20 =	sld [smem:$0x3FDB];
	_ =	sdelay $0x1  }
0x11: {  	s4 =	simm.s32 $_scs_section_size  }
0x12: {  	s5 =	simm.s32 $_size__tile_overlayer_lowered;
	s6 =	simm.s32 $_tile_overlayer_lowered  }
0x13: {  	s23 =	simm.s32 $0x1BFF;
	s22 =	sshll.u32 s6, $0x1;
	s3 =	sadd.s32 s4, s20  }
0x14: {  	s7 =	simm.s32 $0x0;
	s21 =	sshll.u32 s5, $0x1;
	s5 =	sadd.s32 s22, s3  }
0x15: {  	[timem:s7], [sflag:s23] =	dma.local [hbm:s5], s21  }
0x16: {  	_ =	swait.ge [sflag:s23], s21  }
0x17: {  	s4 =	ssub.s32 $0x0, s21;
	[sflag:s23] =	ssyncset.done $0x0  }
0x18: {  	[sflag:s23] =	ssyncadd.s32 s4;
	_ =	sdelay $0x1  }
0x19: {  	s24 =	simm.s32 $0x1B8B  }
0x1a: {  	_ =	swait.ge [sflag:s24], $0x1  }
0x1b: {  	[sflag:s24] =	ssyncset.done $0x0  }
0x1c: {  	s26 =	simm.s32 $0x1B8E;
	s25 =	sld [smem:$0x3FFE];
	[sflag:s24] =	ssyncadd.s32 $0xFFFFFFFF  }
0x1d: {  	s27 =	simm.s32 $execute0_lowered;
	[smem:$0x3FD2] =	sst s26  }
0x1e: {  	s5 =	sshll.u32 s27, $0x1;
	_ =	strace $0x80000049;
	[dreg:$0x1] =	wrdreg $0xFFFFFFFF  }
0x1f: {  	s28 =	simm.s32 $_size_execute0_lowered;
	s3 =	sadd.s32 s3, s5;
	[dreg:$0x0] =	wrdreg $0x0  }
0x20: {  	s5 =	sshll.u32 s28, $0x1;
	[dreg:$0x2] =	wrdreg s3  }
0x21: {  	[dreg:$0x3] =	wrdreg s5  }
0x22: {  	[dreg:$0x4] =	wrdreg $0xC0  }
0x23: {  	_ =	task [dreg:s7], $0x5FFFF  }
0x24: {  	[dreg:$0x1] =	wrdreg $0xFFFFFFFF  }
0x25: {  	[dreg:$0x0] =	wrdreg $0x60  }
0x26: {  	[dreg:$0x2] =	wrdreg s25  }
0x27: {  	[dreg:$0x3] =	wrdreg s2  }
0x28: {  	[dreg:$0x4] =	wrdreg $0x9  }
0x29: {  	_ =	task.clear_ibuf [dreg:s7], $0x5FFFF;
	_ =	strace $0x90000049  }
0x2a: {  	s29 =	simm.s32 $0x9;
	_ =	strace $0x8000004B  }
0x2b: {  	_ =	swait.ge [sflag:s29], $0x1  }
0x2c: {  	[sflag:s29] =	ssyncadd.s32 $0xFFFFFFFF  }
0x2d: {  	_ =	strace $0x9000004B  }
0x2e: {  	_ =	sfence  }
0x2f: {  	s30 =	sld [smem:$0x0];
	_ =	sdelay $0x2  }
0x30: {  	s31 =	sshll.u32 s1, $0xD;
	s1 =	sshrl.u32 s1, $0x2  }
0x31: {  	s3 =	sand.u32 $0x4000, s31;
	s1 =	sadd.s32 s1, s30  }
0x32: {  	s0 =	sor.u32 s3, s0;
	s1 =	sshll.u32 s1, $0x11  }
0x33: {  	s0 =	sor.u32 s1, s0  }
0x34: {  	s0 =	sadd.s32 $0x8F2B, s0  }
0x35: {  	[sflag:s0] =	ssyncadd.remote.s32 $0x1  }
0x36: {  	_ =	sfence.sel $0xFFFF  }
0x37: {  	[dreg:$0x0] =	wrdreg $0xFFFFFFFF;
	(pc) =	sbr.abs _section_cstart, $3  }
0x38: {  	[dreg:$0x1] =	wrdreg $0xFFFFFFFF  }
0x39: {  	_ =	task.clear_ibuf [dreg:s7], $0x2FFFF;
	_ =	strace $0x9FFFFFFF  }
0x3a: {  	(tm) =	ssettm $0x7FFFFFFF  }
0x3b: {  	_ =	shalt  }
tec
execute0_lowered:
.L_overlay_start_1:
0x0: {  	(tag) =	ssettag $0x1  }
0x1: {  	s0 =	srdreg.scid  }
0x2: {  	s1 =	sshll.u32 s0, $0x4  }
0x3: {  	s0 =	stileid.u32;
	s1 =	sand.u32 $0x10, s1  }
0x4: {  	s1 =	sor.u32 s0, s1  }
0x5: {  	s6 =	rddreg [dreg:$0x0];
	s4 =	simm.s32 $0x1;
	s2 =	sshll.u32 s1, $0x7  }
0x6: {  	s7 =	simm.s32 $0x2;
	s12 =	simm.s32 $0x0;
	s1 =	ssub.s32 $0x1000, s2  }
0x7: {  	s8 =	simm.s32 $0x8000;
	s13 =	simm.s32 $0x0;
	s3 =	sand.u32 $0xF80, s1  }
0x8: {  	s9 =	simm.s32 $0x0;
	s5 =	sshrl.u32 s1, $0xC;
	p0 =	sne.s32 s3, $0x0  }
.Ltmp0:
0x9: {  	s1 =	rddreg [dreg:$0x2];
	s4 =	simm.s32 @!p0 $0x0;
	(pc) =	sbr.rel .LBB1_1-.Ltmp0, $4  }
0xa: {  	s11 =	simm.s32 $0x0;
	s3 =	rddreg [dreg:$0x1];
	s5 =	sadd.s32 s4, s5  }
0xb: {  	_ =	strace $0x8000004A;
	s4 =	simm.s32 $0x1;
	s5 =	smul.u32 $0xC8, s5  }
0xc: {  	s6 =	sadd.s32 $0xA00, s6;
	s10 =	smov.u32 s2;
	[sflag:s4] =	ssyncpa.u1 $0x0  }
0xd: {  	p0 =	por $0x0, $0x0;
	[sflag:s7] =	ssyncpa.u1 $0x0;
	s7 =	sor.u32 $0x1, s5  }
.LBB1_4:
0xe: {  	s16 =	sshll.u32 s13, $0x3;
	s17 =	sand.u32 $0x78, s13  }
0xf: {  	s30 =	sand.u32 $0x7E00, s13;
	s12 =	sshll.u32 s12, $0xF;
	s16 =	sand.u32 $0xC00, s16  }
0x10: {  	[tilespmem:s15+$0x810 ss:$0x81] =	vst.msk $0xffff, v2;
	s31 =	sand.u32 $0x7, s13;
	s16 =	sor.u32 s17, s16;
	s17 =	sadd.s32 s3, s30  }
0x11: {  	[tilespmem:s15+$0x1020 ss:$0x81] =	vst.msk $0xffff, v0;
	s13 =	sshll.u32 s31, $0x12;
	s12 =	sadd.s32 s12, s17;
	s16 =	sshrl.u32 s16, $0x3  }
0x12: {  	[tilespmem:s15+$0x0 ss:$0x81] =	vst.msk $0xffff, v1;
	s13 =	sor.u32 $0x400, s13;
	s12 =	sadd.s32 s16, s12  }
0x13: {  	[hbm4b:s12+s13] =	stream.strided.scatter [tilespmem:s14], [sflag:$0x2], $0x2000, s8, s13, $0x20;
	[tilespmem:$0x8080] =	vst v63  }
.LBB1_5:
0x14: {  	s14 =	sadd.s32 $0x1, s9  }
0x15: {  	s12 =	sadd.s32 $0x1000, s10;
	s16 =	smov.u32 s10;
	p2 =	sgt.s32 s14, $0xC7  }
0x16: {  	s16 =	smov.u32 @p2 s12  }
0x17: {  	s14 =	simm.s32 @p2 $0x0;
	p2 =	sgt.s32 s16, $0xFFF  }
0x18: {  	s16 =	smov.u32 @p2 s2;
	p2 =	sne.s32 s11, s7  }
.Ltmp1:
0x19: {  	p1 =	slt.u32 s11, $0x2;
	(pc) =	sbr.rel @!p2 .LBB1_6-.Ltmp1, $4  }
0x1a: {  	s15 =	simm.s32 @!p1 $0x2  }
0x1b: {  	s13 =	smov.u32 s10;
	p0 =	por !p0, !p0;
	_ =	swait.ge @!p1 [sflag:s15], $0x2000  }
0x1c: {  	s12 =	smov.u32 s9;
	[sflag:s15] =	ssyncset.done @!p1 $0x0;
	s9 =	smov.u32 s14  }
0x1d: {  	s11 =	sadd.s32 $0x1, s11;
	[sflag:s15] =	ssyncadd.s32 @!p1 $0xFFFFE000;
	s10 =	smov.u32 s16  }
.LBB1_1:
0x1e: {  	p1 =	sge.u32 s11, s5  }
0x1f: {  	s14 =	sand.u32 @!p1 $0x1FFFFFF, s9  }
0x20: {  	s15 =	smulhi.u32 @!p1 $0x147AE15, s14;
	_ =	sdelay $0x1  }
0x21: {  	s15 =	smul.u32 @!p1 $0xC8, s15  }
0x22: {  	s16 =	sxor.u32 @!p1 $0xFFFFFFFF, s11;
	s17 =	smul.u32 @!p1 $0xC80, s10  }
0x23: {  	s31 =	sadd.s32 $0xFFFFFFFF, s11;
	s16 =	sshll.u32 @!p1 s16, $0xD;
	s14 =	ssub.s32 @!p1 s14, s15  }
0x24: {  	s15 =	sand.u32 @!p1 $0x2000, s16;
	s16 =	sadd.s32 @!p1 s6, s17;
	s14 =	sshll.u32 @!p1 s14, $0x4  }
0x25: {  	s17 =	simm.s32 @!p1 $0x6400;
	s14 =	sadd.s32 @!p1 s14, s16;
	s16 =	simm.s32 @!p1 $0x40  }
0x26: {  	[tilespmem:s15], [sflag:$0x1] =	stream.strided.gather @!p1 [hbm4b:s14+s16], $0x2000, s17, s16, $0x38;
	[tilespmem:$0x8080] =	vst v63  }
0x27: {  	p1 =	sge.u32 s31, s5  }
.Ltmp2:
0x28: {  	_ = 	snop;
	(pc) =	sbr.rel @p1 .LBB1_5-.Ltmp2, $1  }
0x29: {  	_ =	sdelay $0x3  }
0x2a: {  	s14 =	simm.s32 $0x1  }
0x2b: {  	_ =	swait.ge [sflag:s4], $0x2000;
	s14 =	simm.s32 @!p0 $0x0  }
0x2c: {  	[sflag:s4] =	ssyncset.done $0x0;
	s15 =	sshll.u32 s14, $0xD  }
0x2d: {  	[sflag:s4] =	ssyncadd.s32 $0xFFFFE000;
	s18 =	sor.u32 $0x20, s15  }
0x2e: {  	s14 =	smul.u32 $0x8100, s14;
	v3 =	vld [tilespmem:s18+$0x10]  }
0x2f: {  	s30 =	sand.u32 $0x1, s11;
	v2 =	vld [tilespmem:s18+$0xFFFFFFF0]  }
0x30: {  	s15 =	smul.u32 $0x8100, s30;
	s14 =	sshrl.u32 s14, $0x2;
	v0 =	vld [tilespmem:s18+$0x0]  }
0x31: {  	v1 =	vld [tilespmem:s18+$0xFFFFFFE0];
	s16 =	sor.u32 $0x4000, s14  }
0x32: {  	s31 =	sshrl.u32 s15, $0x2;
	s15 =	sadd.s32 $0x0, s16  }
0x33: {  	s17 =	simm.s32 $0x4;
	s18 =	sadd.s32 $0x40, s18;
	s14 =	sor.u32 $0x4000, s31;
	[tilespmem:s15+$0x1830 ss:$0x81] =	vst.msk $0xffff, v3  }
.LBB1_3:
0x34: {  	v3 =	vld [tilespmem:s18+$0x10];
	p1 =	sne.s32 s17, $0x1FC;
	[tilespmem:s15+$0x810 ss:$0x81] =	vst.msk $0xffff, v2;
	s19 =	smov.u32 s17;
	s17 =	sadd.s32 $0x4, s17  }
.Ltmp3:
0x35: {  	v2 =	vld [tilespmem:s18+$0xFFFFFFF0];
	[tilespmem:s15+$0x1020 ss:$0x81] =	vst.msk $0xffff, v0;
	(pc) =	sbr.rel @p1 .LBB1_3-.Ltmp3, $4  }
0x36: {  	v0 =	vld [tilespmem:s18+$0x0];
	[tilespmem:s15+$0x0 ss:$0x81] =	vst.msk $0xffff, v1  }
0x37: {  	s15 =	sshra.s32 s19, $0x2;
	v1 =	vld [tilespmem:s18+$0xFFFFFFE0]  }
0x38: {  	s15 =	sadd.s32 s15, s16  }
0x39: {  	s18 =	sadd.s32 $0x40, s18;
	[tilespmem:s15+$0x1830 ss:$0x81] =	vst.msk $0xffff, v3  }
.Ltmp4:
0x3a: {  	_ = 	snop;
	(pc) =	sbr.rel .LBB1_4-.Ltmp4, $1  }
0x3b: {  	_ =	sdelay $0x3  }
.LBB1_6:
0x3c: {  	_ =	sfence.sel $0x180000  }
0x3d: {  	s2 =	simm.s32 $0x1;
	[bflag:$0x0] =	sbarrier.arrive $0xFFFF  }
0x3e: {  	s31 =	simm.s32 $0x2;
	[sflag:s2] =	ssyncpa.u1 $0x1  }
0x3f: {  	[sflag:s31] =	ssyncpa.u1 $0x1  }
0x40: {  	p0 =	sne.s32 s0, $0x0;
	_ =	strace $0x9000004A  }
0x41: {  	s0 =	sadd.s32 @!p0 $0x100000, s1;
	[bflag:$0x2] =	sbarrier.arrive $0xFFFF  }
0x42: {  	[sflag:s0] =	ssyncadd.tile.s32 @!p0 $0x1;
	_ =	shalt  }
.Lfunc_end1:
_tile_overlayer_lowered:
.L_overlay_start_2:
0x43: {  	(tag) =	ssettag $0x2  }
0x44: {  	s0 =	rddreg [dreg:$0x0];
	s2 =	stileid.u32  }
0x45: {  	s1 =	rddreg [dreg:$0x1];
	p0 =	sne.s32 s2, $0x0  }
0x46: {  	s3 =	rddreg [dreg:$0x2];
	[bflag:$0x3] =	sbarrier.arrive $0xFFFF;
	s2 =	simm.s32 @!p0 $0x1C01  }
0x47: {  	[timem:s3], [sflag:s2] =	dma.local @!p0 [hbm:s0], s1  }
0x48: {  	s0 =	simm.s32 @!p0 $0x1  }
0x49: {  	_ =	swait.ge @!p0 [sflag:s0], s1  }
0x4a: {  	s1 =	ssub.s32 @!p0 $0x0, s1;
	[sflag:s0] =	ssyncset.done @!p0 $0x0  }
0x4b: {  	[sflag:s0] =	ssyncadd.s32 @!p0 s1  }
0x4c: {  	[bflag:$0x3] =	sbarrier.arrive $0xFFFF  }
0x4d: {  	_ =	shalt  }

</sc_bundles>
